<compile_context>
chip_gen: v7x
topology: tpu7x:2x2x1
jax: 0.10.2.dev20260603
libtpu: 0.0.44.dev20260713+nightly
codegen_flags: <defaults>
</compile_context>

<pallas_src>
import functools

import jax
import jax.numpy as jnp
from jax import lax
from jax.experimental import pallas as pl
from jax.experimental.pallas import tpu as pltpu
from jax.experimental.pallas import tpu_sc as plsc

_D0 = 3
_D1 = 5023
_D2 = 2048
_TOTAL = _D0 * _D1 * _D2
_BS = 256
_NB = (_D1 + _BS - 1) // _BS
_TAIL_VALID = _D1 - (_NB - 1) * _BS

_T0 = 15
_FULL_TR = _D1 // 8
_SC_TR0 = _T0 * _BS // 8
_SC_TR = _FULL_TR - _SC_TR0
_PAD_TAIL = _D1 - 8 * _FULL_TR

_NC = 2
_NS = 16
_NW = _NC * _NS
_TR_PER_W = (_SC_TR + _NW - 1) // _NW


def _psum(dsq, rows):
    return jnp.sum(dsq.reshape(rows // 8, 8, _D2), axis=0)


def _tc_kernel(p_ref, r_ref, pt_ref, rt_ref, out_ref, acc_ref):
    d = pl.program_id(0)
    i = pl.program_id(1)

    @pl.when((d == 0) & (i == 0))
    def _init():
        dt = pt_ref[...] - rt_ref[...]
        row = lax.broadcasted_iota(jnp.int32, (1, 8, _D2), 1)
        mt = jnp.where(row < _PAD_TAIL, dt * dt, 0.0)
        acc_ref[...] = _psum(mt, 8)

    d_ = p_ref[...] - r_ref[...]
    dsq = d_ * d_

    @pl.when(((d > 0) | (i < _T0)) & (i < _NB - 1))
    def _body():
        acc_ref[...] += _psum(dsq, _BS)

    @pl.when((d > 0) & (i == _NB - 1))
    def _tail():
        row = lax.broadcasted_iota(jnp.int32, (1, _BS, _D2), 1)
        masked = jnp.where(row < _TAIL_VALID, dsq, 0.0)
        acc_ref[...] += _psum(masked, _BS)

    @pl.when((d == _D0 - 1) & (i == _NB - 1))
    def _done():
        out_ref[0] = jnp.sum(acc_ref[...])


def _tc_part(p, r):
    main_spec = lambda arr: pl.BlockSpec(
        (1, _BS, _D2),
        lambda d, i: (d, jnp.where(d == 0, jnp.minimum(i, _T0 - 1), i), 0),
    )
    tail_spec = pl.BlockSpec((1, 8, _D2), lambda d, i: (0, _FULL_TR, 0))
    total = pl.pallas_call(
        _tc_kernel,
        grid=(_D0, _NB),
        in_specs=[main_spec(p), main_spec(r), tail_spec, tail_spec],
        out_specs=pl.BlockSpec(memory_space=pltpu.MemorySpace.SMEM),
        out_shape=jax.ShapeDtypeStruct((1,), jnp.float32),
        scratch_shapes=[pltpu.VMEM((8, _D2), jnp.float32)],
    )(p, r, p, r)
    return total[0]


def _sc_mse(p_hbm, r_hbm, out_hbm, pbuf, rbuf, obuf):
    wid = lax.axis_index("s") * _NC + lax.axis_index("c")
    base_tr = _SC_TR0 + wid * _TR_PER_W
    end_tr = jnp.minimum(base_tr + _TR_PER_W, _FULL_TR)
    n_chunks = jnp.maximum(end_tr - base_tr, 0)

    def chunk_body(c, accs):
        row0 = (base_tr + c) * 8
        pltpu.sync_copy(p_hbm.at[0, pl.ds(row0, 8), :], pbuf)
        pltpu.sync_copy(r_hbm.at[0, pl.ds(row0, 8), :], rbuf)

        def row_body(rr, accs):
            def col_body(k, accs):
                col = k * 128
                new = []
                for u in range(8):
                    pv = pbuf[rr, pl.ds(col + u * 16, 16)]
                    rv = rbuf[rr, pl.ds(col + u * 16, 16)]
                    dv = pv - rv
                    new.append(accs[u] + dv * dv)
                return tuple(new)

            return lax.fori_loop(0, _D2 // 128, col_body, accs)

        return lax.fori_loop(0, 8, row_body, accs)

    accs = tuple(jnp.zeros((16,), jnp.float32) for _ in range(8))
    accs = lax.fori_loop(0, n_chunks, chunk_body, accs)
    tot = accs[0]
    for u in range(1, 8):
        tot = tot + accs[u]
    obuf[...] = tot
    pltpu.sync_copy(obuf, out_hbm.at[pl.ds(wid * 16, 16)])


_sc_call = functools.partial(
    pl.kernel,
    _sc_mse,
    out_type=jax.ShapeDtypeStruct((_NW * 16,), jnp.float32),
    scratch_types=[
        pltpu.VMEM((8, _D2), jnp.float32),
        pltpu.VMEM((8, _D2), jnp.float32),
        pltpu.VMEM((16,), jnp.float32),
    ],
)


def kernel(pred_vertices, ref_vertices):
    p = jnp.transpose(pred_vertices, (2, 1, 0))
    r = jnp.transpose(ref_vertices, (2, 1, 0))
    mesh = plsc.VectorSubcoreMesh(core_axis_name="c", subcore_axis_name="s")
    sc_partials = _sc_call(mesh=mesh)(p, r)
    tc_total = _tc_part(p, r)
    total = tc_total + jnp.sum(sc_partials)
    return (total / _TOTAL).astype(jnp.float32)

# --- scband reference (transcript-rebuilt; emitter-appended) ---
"""Pipeline reference for scband-region-weighted-loss-64802466562678 (READ-ONLY COPY).

The authoritative reference and input builder live on the scoring server;
editing this copy changes nothing except your own understanding.
"""

import jax, jax.numpy as jnp
import numpy as np


def setup_inputs(seed: int = 0) -> dict:
    key = jax.random.key(seed)
    k1, k2 = jax.random.split(key)
    pred_vertices = jax.random.normal(k1, (2048, 5023, 3), dtype=jnp.float32)
    ref_vertices = jax.random.normal(k2, (2048, 5023, 3), dtype=jnp.float32)
    return {"pred_vertices": pred_vertices, "ref_vertices": ref_vertices}


def reference(pred_vertices, ref_vertices):
    # FLAME_masks.pkl is unavailable, so the module falls back to uniform
    # vertex MSE: F.mse_loss(pred_vertices, ref_vertices) with mean reduction.
    diff = pred_vertices - ref_vertices
    return jnp.mean(diff * diff)

if __name__ == "__main__":
    import jax
    _d = setup_inputs()
    print(jax.jit(kernel)(*tuple(_d.values())))

</pallas_src>

<mosaic_0001>
#map = affine_map<(d0, d1) -> (0, 0, 0)>
#map1 = affine_map<(d0, d1) -> (0)>
module attributes {stable_mosaic.version = 14 : i64} {
  func.func @_sc_mse(%arg0: i32, %arg1: i32, %arg2: memref<3x5023x2048xf32, #tpu.memory_space<hbm>>, %arg3: memref<3x5023x2048xf32, #tpu.memory_space<hbm>>, %arg4: memref<512xf32, #tpu.memory_space<hbm>>, %arg5: memref<8x2048xf32, #tpu.memory_space<vmem>>, %arg6: memref<8x2048xf32, #tpu.memory_space<vmem>>, %arg7: memref<16xf32, #tpu.memory_space<vmem>>) attributes {dimension_semantics = [#tpu.dimension_semantics<core_parallel>, #tpu.dimension_semantics<subcore_parallel>], iteration_bounds = array<i64: 2, 16>, scalar_prefetch = 0 : i64, scratch_operands = 3 : i64, tpu.core_type = #tpu.core_type<sc_vector_subcore>, window_params = [{transform_indices = #map}, {transform_indices = #map}, {transform_indices = #map1}]} {
    %mul3A = arith.constant 2 : i32
    %mul3A_0 = arith.muli %arg1, %mul3A : i32
    %add3A = arith.addi %mul3A_0, %arg0 : i32
    %mul3A_1 = arith.constant 5 : i32
    %mul3A_2 = arith.muli %add3A, %mul3A_1 : i32
    %add3A_3 = arith.constant 480 : i32
    %add3A_4 = arith.addi %add3A_3, %mul3A_2 : i32
    %add3A_5 = arith.constant 5 : i32
    %add3A_6 = arith.addi %add3A_4, %add3A_5 : i32
    %min3A = arith.constant 627 : i32
    %min3A_7 = arith.minsi %add3A_6, %min3A : i32
    %sub3A = arith.subi %min3A_7, %add3A_4 : i32
    %max3A = arith.constant 0 : i32
    %max3A_8 = arith.maxsi %sub3A, %max3A : i32
    %broadcast_in_dim3A = arith.constant 0.000000e+00 : f32
    %broadcast_in_dim3A_9 = vector.broadcast %broadcast_in_dim3A : f32 to vector<16xf32>
    %broadcast_in_dim3A_10 = arith.constant 0.000000e+00 : f32
    %broadcast_in_dim3A_11 = vector.broadcast %broadcast_in_dim3A_10 : f32 to vector<16xf32>
    %broadcast_in_dim3A_12 = arith.constant 0.000000e+00 : f32
    %broadcast_in_dim3A_13 = vector.broadcast %broadcast_in_dim3A_12 : f32 to vector<16xf32>
    %broadcast_in_dim3A_14 = arith.constant 0.000000e+00 : f32
    %broadcast_in_dim3A_15 = vector.broadcast %broadcast_in_dim3A_14 : f32 to vector<16xf32>
    %broadcast_in_dim3A_16 = arith.constant 0.000000e+00 : f32
    %broadcast_in_dim3A_17 = vector.broadcast %broadcast_in_dim3A_16 : f32 to vector<16xf32>
    %broadcast_in_dim3A_18 = arith.constant 0.000000e+00 : f32
    %broadcast_in_dim3A_19 = vector.broadcast %broadcast_in_dim3A_18 : f32 to vector<16xf32>
    %broadcast_in_dim3A_20 = arith.constant 0.000000e+00 : f32
    %broadcast_in_dim3A_21 = vector.broadcast %broadcast_in_dim3A_20 : f32 to vector<16xf32>
    %broadcast_in_dim3A_22 = arith.constant 0.000000e+00 : f32
    %broadcast_in_dim3A_23 = vector.broadcast %broadcast_in_dim3A_22 : f32 to vector<16xf32>
    %while3A = arith.constant 0 : i32
    %while3A_24 = arith.subi %max3A_8, %while3A : i32
    %while3A_25 = arith.addi %while3A, %while3A_24 : i32
    %while3A_26 = arith.constant 1 : i32
    %while3A_27 = arith.divsi %while3A_24, %while3A_26 : i32
    %while3A_28 = arith.muli %while3A_27, %while3A_26 : i32
    %while3A_29 = arith.addi %while3A, %while3A_28 : i32
    %while3A_30 = arith.constant 1 : i32
    %while3A_31:8 = scf.for %while3A_46 = %while3A to %while3A_29 step %while3A_30 iter_args(%while3A_47 = %broadcast_in_dim3A_9, %while3A_48 = %broadcast_in_dim3A_11, %while3A_49 = %broadcast_in_dim3A_13, %while3A_50 = %broadcast_in_dim3A_15, %while3A_51 = %broadcast_in_dim3A_17, %while3A_52 = %broadcast_in_dim3A_19, %while3A_53 = %broadcast_in_dim3A_21, %while3A_54 = %broadcast_in_dim3A_23) -> (vector<16xf32>, vector<16xf32>, vector<16xf32>, vector<16xf32>, vector<16xf32>, vector<16xf32>, vector<16xf32>, vector<16xf32>)  : i32 {
      %add3A_55 = arith.addi %add3A_4, %while3A_46 : i32
      %mul3A_56 = arith.constant 8 : i32
      %mul3A_57 = arith.muli %add3A_55, %mul3A_56 : i32
      %run_scoped3A = arith.constant 0 : i32
      "tpu.region"() ({
        %run_scoped3A_64 = tpu.sem_alloc : memref<!tpu.dma_semaphore, #tpu.memory_space<semaphore_mem>>
        %dma_start3A = arith.constant 0 : i32
        %dma_start3A_65 = tpu.memref_slice %arg2[%run_scoped3A, %mul3A_57, %dma_start3A] : memref<3x5023x2048xf32, #tpu.memory_space<hbm>> -> memref<1x8x2048xf32, #tpu.memory_space<hbm>>
        %dma_start3A_66 = tpu.memref_squeeze %dma_start3A_65 : memref<1x8x2048xf32, #tpu.memory_space<hbm>> -> memref<8x2048xf32, #tpu.memory_space<hbm>>
        %dma_start3A_67 = arith.constant 0 : i32
        %dma_start3A_68 = tpu.memref_slice %arg2[%run_scoped3A, %mul3A_57, %dma_start3A_67] : memref<3x5023x2048xf32, #tpu.memory_space<hbm>> -> memref<1x8x2048xf32, #tpu.memory_space<hbm>>
        %dma_start3A_69 = tpu.memref_squeeze %dma_start3A_68 : memref<1x8x2048xf32, #tpu.memory_space<hbm>> -> memref<8x2048xf32, #tpu.memory_space<hbm>>
        tpu.enqueue_dma source(%dma_start3A_69 : memref<8x2048xf32, #tpu.memory_space<hbm>>) target(%arg5 : memref<8x2048xf32, #tpu.memory_space<vmem>>) target_semaphore(%run_scoped3A_64 : memref<!tpu.dma_semaphore, #tpu.memory_space<semaphore_mem>>)
        %dma_wait3A = arith.constant 0 : i32
        %dma_wait3A_70 = tpu.memref_slice %arg2[%run_scoped3A, %mul3A_57, %dma_wait3A] : memref<3x5023x2048xf32, #tpu.memory_space<hbm>> -> memref<1x8x2048xf32, #tpu.memory_space<hbm>>
        %dma_wait3A_71 = tpu.memref_squeeze %dma_wait3A_70 : memref<1x8x2048xf32, #tpu.memory_space<hbm>> -> memref<8x2048xf32, #tpu.memory_space<hbm>>
        %dma_wait3A_72 = arith.constant 0 : i32
        %dma_wait3A_73 = tpu.memref_slice %arg2[%run_scoped3A, %mul3A_57, %dma_wait3A_72] : memref<3x5023x2048xf32, #tpu.memory_space<hbm>> -> memref<1x8x2048xf32, #tpu.memory_space<hbm>>
        %dma_wait3A_74 = tpu.memref_squeeze %dma_wait3A_73 : memref<1x8x2048xf32, #tpu.memory_space<hbm>> -> memref<8x2048xf32, #tpu.memory_space<hbm>>
        tpu.wait_dma2 semaphore(%run_scoped3A_64 : memref<!tpu.dma_semaphore, #tpu.memory_space<semaphore_mem>>) src(%dma_wait3A_74 : memref<8x2048xf32, #tpu.memory_space<hbm>>) dst(%arg5 : memref<8x2048xf32, #tpu.memory_space<vmem>>)
        tpu.yield
      }) : () -> ()
      %run_scoped3A_58 = arith.constant 0 : i32
      "tpu.region"() ({
        %run_scoped3A_64 = tpu.sem_alloc : memref<!tpu.dma_semaphore, #tpu.memory_space<semaphore_mem>>
        %dma_start3A = arith.constant 0 : i32
        %dma_start3A_65 = tpu.memref_slice %arg3[%run_scoped3A_58, %mul3A_57, %dma_start3A] : memref<3x5023x2048xf32, #tpu.memory_space<hbm>> -> memref<1x8x2048xf32, #tpu.memory_space<hbm>>
        %dma_start3A_66 = tpu.memref_squeeze %dma_start3A_65 : memref<1x8x2048xf32, #tpu.memory_space<hbm>> -> memref<8x2048xf32, #tpu.memory_space<hbm>>
        %dma_start3A_67 = arith.constant 0 : i32
        %dma_start3A_68 = tpu.memref_slice %arg3[%run_scoped3A_58, %mul3A_57, %dma_start3A_67] : memref<3x5023x2048xf32, #tpu.memory_space<hbm>> -> memref<1x8x2048xf32, #tpu.memory_space<hbm>>
        %dma_start3A_69 = tpu.memref_squeeze %dma_start3A_68 : memref<1x8x2048xf32, #tpu.memory_space<hbm>> -> memref<8x2048xf32, #tpu.memory_space<hbm>>
        tpu.enqueue_dma source(%dma_start3A_69 : memref<8x2048xf32, #tpu.memory_space<hbm>>) target(%arg6 : memref<8x2048xf32, #tpu.memory_space<vmem>>) target_semaphore(%run_scoped3A_64 : memref<!tpu.dma_semaphore, #tpu.memory_space<semaphore_mem>>)
        %dma_wait3A = arith.constant 0 : i32
        %dma_wait3A_70 = tpu.memref_slice %arg3[%run_scoped3A_58, %mul3A_57, %dma_wait3A] : memref<3x5023x2048xf32, #tpu.memory_space<hbm>> -> memref<1x8x2048xf32, #tpu.memory_space<hbm>>
        %dma_wait3A_71 = tpu.memref_squeeze %dma_wait3A_70 : memref<1x8x2048xf32, #tpu.memory_space<hbm>> -> memref<8x2048xf32, #tpu.memory_space<hbm>>
        %dma_wait3A_72 = arith.constant 0 : i32
        %dma_wait3A_73 = tpu.memref_slice %arg3[%run_scoped3A_58, %mul3A_57, %dma_wait3A_72] : memref<3x5023x2048xf32, #tpu.memory_space<hbm>> -> memref<1x8x2048xf32, #tpu.memory_space<hbm>>
        %dma_wait3A_74 = tpu.memref_squeeze %dma_wait3A_73 : memref<1x8x2048xf32, #tpu.memory_space<hbm>> -> memref<8x2048xf32, #tpu.memory_space<hbm>>
        tpu.wait_dma2 semaphore(%run_scoped3A_64 : memref<!tpu.dma_semaphore, #tpu.memory_space<semaphore_mem>>) src(%dma_wait3A_74 : memref<8x2048xf32, #tpu.memory_space<hbm>>) dst(%arg6 : memref<8x2048xf32, #tpu.memory_space<vmem>>)
        tpu.yield
      }) : () -> ()
      %scan3A = arith.constant 0 : i32
      %scan3A_59 = arith.constant 8 : i32
      %scan3A_60 = arith.addi %scan3A, %scan3A_59 : i32
      %scan3A_61 = arith.constant 1 : i32
      %scan3A_62:8 = scf.for %scan3A_64 = %scan3A to %scan3A_60 step %scan3A_61 iter_args(%scan3A_65 = %while3A_47, %scan3A_66 = %while3A_48, %scan3A_67 = %while3A_49, %scan3A_68 = %while3A_50, %scan3A_69 = %while3A_51, %scan3A_70 = %while3A_52, %scan3A_71 = %while3A_53, %scan3A_72 = %while3A_54) -> (vector<16xf32>, vector<16xf32>, vector<16xf32>, vector<16xf32>, vector<16xf32>, vector<16xf32>, vector<16xf32>, vector<16xf32>)  : i32 {
        %scan3A_73 = arith.constant 0 : i32
        %scan3A_74 = arith.constant 16 : i32
        %scan3A_75 = arith.addi %scan3A_73, %scan3A_74 : i32
        %scan3A_76 = arith.constant 1 : i32
        %scan3A_77:8 = scf.for %scan3A_79 = %scan3A_73 to %scan3A_75 step %scan3A_76 iter_args(%scan3A_80 = %scan3A_65, %scan3A_81 = %scan3A_66, %scan3A_82 = %scan3A_67, %scan3A_83 = %scan3A_68, %scan3A_84 = %scan3A_69, %scan3A_85 = %scan3A_70, %scan3A_86 = %scan3A_71, %scan3A_87 = %scan3A_72) -> (vector<16xf32>, vector<16xf32>, vector<16xf32>, vector<16xf32>, vector<16xf32>, vector<16xf32>, vector<16xf32>, vector<16xf32>)  : i32 {
          %mul3A_88 = arith.constant 128 : i32
          %mul3A_89 = arith.muli %scan3A_79, %mul3A_88 : i32
          %add3A_90 = arith.constant 0 : i32
          %add3A_91 = arith.addi %mul3A_89, %add3A_90 : i32
          %get3A = arith.index_cast %scan3A_64 : i32 to index
          %get3A_92 = arith.index_cast %add3A_91 : i32 to index
          %get3A_93 = tpu.vector_load %arg5[%get3A, %get3A_92] {strides = array<i32>} : memref<8x2048xf32, #tpu.memory_space<vmem>>, vector<1x16xf32>,
          %get3A_94 = vector.shape_cast %get3A_93 : vector<1x16xf32> to vector<16xf32>
          %add3A_95 = arith.constant 0 : i32
          %add3A_96 = arith.addi %mul3A_89, %add3A_95 : i32
          %get3A_97 = arith.index_cast %scan3A_64 : i32 to index
          %get3A_98 = arith.index_cast %add3A_96 : i32 to index
          %get3A_99 = tpu.vector_load %arg6[%get3A_97, %get3A_98] {strides = array<i32>} : memref<8x2048xf32, #tpu.memory_space<vmem>>, vector<1x16xf32>,
          %get3A_100 = vector.shape_cast %get3A_99 : vector<1x16xf32> to vector<16xf32>
          %sub3A_101 = arith.subf %get3A_94, %get3A_100 : vector<16xf32>
          %mul3A_102 = arith.mulf %sub3A_101, %sub3A_101 : vector<16xf32>
          %add3A_103 = arith.addf %scan3A_80, %mul3A_102 : vector<16xf32>
          %add3A_104 = arith.constant 16 : i32
          %add3A_105 = arith.addi %mul3A_89, %add3A_104 : i32
          %get3A_106 = arith.index_cast %scan3A_64 : i32 to index
          %get3A_107 = arith.index_cast %add3A_105 : i32 to index
          %get3A_108 = tpu.vector_load %arg5[%get3A_106, %get3A_107] {strides = array<i32>} : memref<8x2048xf32, #tpu.memory_space<vmem>>, vector<1x16xf32>,
          %get3A_109 = vector.shape_cast %get3A_108 : vector<1x16xf32> to vector<16xf32>
          %add3A_110 = arith.constant 16 : i32
          %add3A_111 = arith.addi %mul3A_89, %add3A_110 : i32
          %get3A_112 = arith.index_cast %scan3A_64 : i32 to index
          %get3A_113 = arith.index_cast %add3A_111 : i32 to index
          %get3A_114 = tpu.vector_load %arg6[%get3A_112, %get3A_113] {strides = array<i32>} : memref<8x2048xf32, #tpu.memory_space<vmem>>, vector<1x16xf32>,
          %get3A_115 = vector.shape_cast %get3A_114 : vector<1x16xf32> to vector<16xf32>
          %sub3A_116 = arith.subf %get3A_109, %get3A_115 : vector<16xf32>
          %mul3A_117 = arith.mulf %sub3A_116, %sub3A_116 : vector<16xf32>
          %add3A_118 = arith.addf %scan3A_81, %mul3A_117 : vector<16xf32>
          %add3A_119 = arith.constant 32 : i32
          %add3A_120 = arith.addi %mul3A_89, %add3A_119 : i32
          %get3A_121 = arith.index_cast %scan3A_64 : i32 to index
          %get3A_122 = arith.index_cast %add3A_120 : i32 to index
          %get3A_123 = tpu.vector_load %arg5[%get3A_121, %get3A_122] {strides = array<i32>} : memref<8x2048xf32, #tpu.memory_space<vmem>>, vector<1x16xf32>,
          %get3A_124 = vector.shape_cast %get3A_123 : vector<1x16xf32> to vector<16xf32>
          %add3A_125 = arith.constant 32 : i32
          %add3A_126 = arith.addi %mul3A_89, %add3A_125 : i32
          %get3A_127 = arith.index_cast %scan3A_64 : i32 to index
          %get3A_128 = arith.index_cast %add3A_126 : i32 to index
          %get3A_129 = tpu.vector_load %arg6[%get3A_127, %get3A_128] {strides = array<i32>} : memref<8x2048xf32, #tpu.memory_space<vmem>>, vector<1x16xf32>,
          %get3A_130 = vector.shape_cast %get3A_129 : vector<1x16xf32> to vector<16xf32>
          %sub3A_131 = arith.subf %get3A_124, %get3A_130 : vector<16xf32>
          %mul3A_132 = arith.mulf %sub3A_131, %sub3A_131 : vector<16xf32>
          %add3A_133 = arith.addf %scan3A_82, %mul3A_132 : vector<16xf32>
          %add3A_134 = arith.constant 48 : i32
          %add3A_135 = arith.addi %mul3A_89, %add3A_134 : i32
          %get3A_136 = arith.index_cast %scan3A_64 : i32 to index
          %get3A_137 = arith.index_cast %add3A_135 : i32 to index
          %get3A_138 = tpu.vector_load %arg5[%get3A_136, %get3A_137] {strides = array<i32>} : memref<8x2048xf32, #tpu.memory_space<vmem>>, vector<1x16xf32>,
          %get3A_139 = vector.shape_cast %get3A_138 : vector<1x16xf32> to vector<16xf32>
          %add3A_140 = arith.constant 48 : i32
          %add3A_141 = arith.addi %mul3A_89, %add3A_140 : i32
          %get3A_142 = arith.index_cast %scan3A_64 : i32 to index
          %get3A_143 = arith.index_cast %add3A_141 : i32 to index
          %get3A_144 = tpu.vector_load %arg6[%get3A_142, %get3A_143] {strides = array<i32>} : memref<8x2048xf32, #tpu.memory_space<vmem>>, vector<1x16xf32>,
          %get3A_145 = vector.shape_cast %get3A_144 : vector<1x16xf32> to vector<16xf32>
          %sub3A_146 = arith.subf %get3A_139, %get3A_145 : vector<16xf32>
          %mul3A_147 = arith.mulf %sub3A_146, %sub3A_146 : vector<16xf32>
          %add3A_148 = arith.addf %scan3A_83, %mul3A_147 : vector<16xf32>
          %add3A_149 = arith.constant 64 : i32
          %add3A_150 = arith.addi %mul3A_89, %add3A_149 : i32
          %get3A_151 = arith.index_cast %scan3A_64 : i32 to index
          %get3A_152 = arith.index_cast %add3A_150 : i32 to index
          %get3A_153 = tpu.vector_load %arg5[%get3A_151, %get3A_152] {strides = array<i32>} : memref<8x2048xf32, #tpu.memory_space<vmem>>, vector<1x16xf32>,
          %get3A_154 = vector.shape_cast %get3A_153 : vector<1x16xf32> to vector<16xf32>
          %add3A_155 = arith.constant 64 : i32
          %add3A_156 = arith.addi %mul3A_89, %add3A_155 : i32
          %get3A_157 = arith.index_cast %scan3A_64 : i32 to index
          %get3A_158 = arith.index_cast %add3A_156 : i32 to index
          %get3A_159 = tpu.vector_load %arg6[%get3A_157, %get3A_158] {strides = array<i32>} : memref<8x2048xf32, #tpu.memory_space<vmem>>, vector<1x16xf32>,
          %get3A_160 = vector.shape_cast %get3A_159 : vector<1x16xf32> to vector<16xf32>
          %sub3A_161 = arith.subf %get3A_154, %get3A_160 : vector<16xf32>
          %mul3A_162 = arith.mulf %sub3A_161, %sub3A_161 : vector<16xf32>
          %add3A_163 = arith.addf %scan3A_84, %mul3A_162 : vector<16xf32>
          %add3A_164 = arith.constant 80 : i32
          %add3A_165 = arith.addi %mul3A_89, %add3A_164 : i32
          %get3A_166 = arith.index_cast %scan3A_64 : i32 to index
          %get3A_167 = arith.index_cast %add3A_165 : i32 to index
          %get3A_168 = tpu.vector_load %arg5[%get3A_166, %get3A_167] {strides = array<i32>} : memref<8x2048xf32, #tpu.memory_space<vmem>>, vector<1x16xf32>,
          %get3A_169 = vector.shape_cast %get3A_168 : vector<1x16xf32> to vector<16xf32>
          %add3A_170 = arith.constant 80 : i32
          %add3A_171 = arith.addi %mul3A_89, %add3A_170 : i32
          %get3A_172 = arith.index_cast %scan3A_64 : i32 to index
          %get3A_173 = arith.index_cast %add3A_171 : i32 to index
          %get3A_174 = tpu.vector_load %arg6[%get3A_172, %get3A_173] {strides = array<i32>} : memref<8x2048xf32, #tpu.memory_space<vmem>>, vector<1x16xf32>,
          %get3A_175 = vector.shape_cast %get3A_174 : vector<1x16xf32> to vector<16xf32>
          %sub3A_176 = arith.subf %get3A_169, %get3A_175 : vector<16xf32>
          %mul3A_177 = arith.mulf %sub3A_176, %sub3A_176 : vector<16xf32>
          %add3A_178 = arith.addf %scan3A_85, %mul3A_177 : vector<16xf32>
          %add3A_179 = arith.constant 96 : i32
          %add3A_180 = arith.addi %mul3A_89, %add3A_179 : i32
          %get3A_181 = arith.index_cast %scan3A_64 : i32 to index
          %get3A_182 = arith.index_cast %add3A_180 : i32 to index
          %get3A_183 = tpu.vector_load %arg5[%get3A_181, %get3A_182] {strides = array<i32>} : memref<8x2048xf32, #tpu.memory_space<vmem>>, vector<1x16xf32>,
          %get3A_184 = vector.shape_cast %get3A_183 : vector<1x16xf32> to vector<16xf32>
          %add3A_185 = arith.constant 96 : i32
          %add3A_186 = arith.addi %mul3A_89, %add3A_185 : i32
          %get3A_187 = arith.index_cast %scan3A_64 : i32 to index
          %get3A_188 = arith.index_cast %add3A_186 : i32 to index
          %get3A_189 = tpu.vector_load %arg6[%get3A_187, %get3A_188] {strides = array<i32>} : memref<8x2048xf32, #tpu.memory_space<vmem>>, vector<1x16xf32>,
          %get3A_190 = vector.shape_cast %get3A_189 : vector<1x16xf32> to vector<16xf32>
          %sub3A_191 = arith.subf %get3A_184, %get3A_190 : vector<16xf32>
          %mul3A_192 = arith.mulf %sub3A_191, %sub3A_191 : vector<16xf32>
          %add3A_193 = arith.addf %scan3A_86, %mul3A_192 : vector<16xf32>
          %add3A_194 = arith.constant 112 : i32
          %add3A_195 = arith.addi %mul3A_89, %add3A_194 : i32
          %get3A_196 = arith.index_cast %scan3A_64 : i32 to index
          %get3A_197 = arith.index_cast %add3A_195 : i32 to index
          %get3A_198 = tpu.vector_load %arg5[%get3A_196, %get3A_197] {strides = array<i32>} : memref<8x2048xf32, #tpu.memory_space<vmem>>, vector<1x16xf32>,
          %get3A_199 = vector.shape_cast %get3A_198 : vector<1x16xf32> to vector<16xf32>
          %add3A_200 = arith.constant 112 : i32
          %add3A_201 = arith.addi %mul3A_89, %add3A_200 : i32
          %get3A_202 = arith.index_cast %scan3A_64 : i32 to index
          %get3A_203 = arith.index_cast %add3A_201 : i32 to index
          %get3A_204 = tpu.vector_load %arg6[%get3A_202, %get3A_203] {strides = array<i32>} : memref<8x2048xf32, #tpu.memory_space<vmem>>, vector<1x16xf32>,
          %get3A_205 = vector.shape_cast %get3A_204 : vector<1x16xf32> to vector<16xf32>
          %sub3A_206 = arith.subf %get3A_199, %get3A_205 : vector<16xf32>
          %mul3A_207 = arith.mulf %sub3A_206, %sub3A_206 : vector<16xf32>
          %add3A_208 = arith.addf %scan3A_87, %mul3A_207 : vector<16xf32>
          scf.yield %add3A_103, %add3A_118, %add3A_133, %add3A_148, %add3A_163, %add3A_178, %add3A_193, %add3A_208 : vector<16xf32>, vector<16xf32>, vector<16xf32>, vector<16xf32>, vector<16xf32>, vector<16xf32>, vector<16xf32>, vector<16xf32>
        }
        %scan3A_78 = arith.constant 16 : i32
        scf.yield %scan3A_77#0, %scan3A_77#1, %scan3A_77#2, %scan3A_77#3, %scan3A_77#4, %scan3A_77#5, %scan3A_77#6, %scan3A_77#7 : vector<16xf32>, vector<16xf32>, vector<16xf32>, vector<16xf32>, vector<16xf32>, vector<16xf32>, vector<16xf32>, vector<16xf32>
      }
      %scan3A_63 = arith.constant 8 : i32
      scf.yield %scan3A_62#0, %scan3A_62#1, %scan3A_62#2, %scan3A_62#3, %scan3A_62#4, %scan3A_62#5, %scan3A_62#6, %scan3A_62#7 : vector<16xf32>, vector<16xf32>, vector<16xf32>, vector<16xf32>, vector<16xf32>, vector<16xf32>, vector<16xf32>, vector<16xf32>
    }
    %while3A_32 = arith.constant 1 : i32
    %while3A_33:8 = scf.for %while3A_46 = %while3A_29 to %while3A_25 step %while3A_32 iter_args(%while3A_47 = %while3A_31#0, %while3A_48 = %while3A_31#1, %while3A_49 = %while3A_31#2, %while3A_50 = %while3A_31#3, %while3A_51 = %while3A_31#4, %while3A_52 = %while3A_31#5, %while3A_53 = %while3A_31#6, %while3A_54 = %while3A_31#7) -> (vector<16xf32>, vector<16xf32>, vector<16xf32>, vector<16xf32>, vector<16xf32>, vector<16xf32>, vector<16xf32>, vector<16xf32>)  : i32 {
      %add3A_55 = arith.addi %add3A_4, %while3A_46 : i32
      %mul3A_56 = arith.constant 8 : i32
      %mul3A_57 = arith.muli %add3A_55, %mul3A_56 : i32
      %run_scoped3A = arith.constant 0 : i32
      "tpu.region"() ({
        %run_scoped3A_64 = tpu.sem_alloc : memref<!tpu.dma_semaphore, #tpu.memory_space<semaphore_mem>>
        %dma_start3A = arith.constant 0 : i32
        %dma_start3A_65 = tpu.memref_slice %arg2[%run_scoped3A, %mul3A_57, %dma_start3A] : memref<3x5023x2048xf32, #tpu.memory_space<hbm>> -> memref<1x8x2048xf32, #tpu.memory_space<hbm>>
        %dma_start3A_66 = tpu.memref_squeeze %dma_start3A_65 : memref<1x8x2048xf32, #tpu.memory_space<hbm>> -> memref<8x2048xf32, #tpu.memory_space<hbm>>
        %dma_start3A_67 = arith.constant 0 : i32
        %dma_start3A_68 = tpu.memref_slice %arg2[%run_scoped3A, %mul3A_57, %dma_start3A_67] : memref<3x5023x2048xf32, #tpu.memory_space<hbm>> -> memref<1x8x2048xf32, #tpu.memory_space<hbm>>
        %dma_start3A_69 = tpu.memref_squeeze %dma_start3A_68 : memref<1x8x2048xf32, #tpu.memory_space<hbm>> -> memref<8x2048xf32, #tpu.memory_space<hbm>>
        tpu.enqueue_dma source(%dma_start3A_69 : memref<8x2048xf32, #tpu.memory_space<hbm>>) target(%arg5 : memref<8x2048xf32, #tpu.memory_space<vmem>>) target_semaphore(%run_scoped3A_64 : memref<!tpu.dma_semaphore, #tpu.memory_space<semaphore_mem>>)
        %dma_wait3A = arith.constant 0 : i32
        %dma_wait3A_70 = tpu.memref_slice %arg2[%run_scoped3A, %mul3A_57, %dma_wait3A] : memref<3x5023x2048xf32, #tpu.memory_space<hbm>> -> memref<1x8x2048xf32, #tpu.memory_space<hbm>>
        %dma_wait3A_71 = tpu.memref_squeeze %dma_wait3A_70 : memref<1x8x2048xf32, #tpu.memory_space<hbm>> -> memref<8x2048xf32, #tpu.memory_space<hbm>>
        %dma_wait3A_72 = arith.constant 0 : i32
        %dma_wait3A_73 = tpu.memref_slice %arg2[%run_scoped3A, %mul3A_57, %dma_wait3A_72] : memref<3x5023x2048xf32, #tpu.memory_space<hbm>> -> memref<1x8x2048xf32, #tpu.memory_space<hbm>>
        %dma_wait3A_74 = tpu.memref_squeeze %dma_wait3A_73 : memref<1x8x2048xf32, #tpu.memory_space<hbm>> -> memref<8x2048xf32, #tpu.memory_space<hbm>>
        tpu.wait_dma2 semaphore(%run_scoped3A_64 : memref<!tpu.dma_semaphore, #tpu.memory_space<semaphore_mem>>) src(%dma_wait3A_74 : memref<8x2048xf32, #tpu.memory_space<hbm>>) dst(%arg5 : memref<8x2048xf32, #tpu.memory_space<vmem>>)
        tpu.yield
      }) : () -> ()
      %run_scoped3A_58 = arith.constant 0 : i32
      "tpu.region"() ({
        %run_scoped3A_64 = tpu.sem_alloc : memref<!tpu.dma_semaphore, #tpu.memory_space<semaphore_mem>>
        %dma_start3A = arith.constant 0 : i32
        %dma_start3A_65 = tpu.memref_slice %arg3[%run_scoped3A_58, %mul3A_57, %dma_start3A] : memref<3x5023x2048xf32, #tpu.memory_space<hbm>> -> memref<1x8x2048xf32, #tpu.memory_space<hbm>>
        %dma_start3A_66 = tpu.memref_squeeze %dma_start3A_65 : memref<1x8x2048xf32, #tpu.memory_space<hbm>> -> memref<8x2048xf32, #tpu.memory_space<hbm>>
        %dma_start3A_67 = arith.constant 0 : i32
        %dma_start3A_68 = tpu.memref_slice %arg3[%run_scoped3A_58, %mul3A_57, %dma_start3A_67] : memref<3x5023x2048xf32, #tpu.memory_space<hbm>> -> memref<1x8x2048xf32, #tpu.memory_space<hbm>>
        %dma_start3A_69 = tpu.memref_squeeze %dma_start3A_68 : memref<1x8x2048xf32, #tpu.memory_space<hbm>> -> memref<8x2048xf32, #tpu.memory_space<hbm>>
        tpu.enqueue_dma source(%dma_start3A_69 : memref<8x2048xf32, #tpu.memory_space<hbm>>) target(%arg6 : memref<8x2048xf32, #tpu.memory_space<vmem>>) target_semaphore(%run_scoped3A_64 : memref<!tpu.dma_semaphore, #tpu.memory_space<semaphore_mem>>)
        %dma_wait3A = arith.constant 0 : i32
        %dma_wait3A_70 = tpu.memref_slice %arg3[%run_scoped3A_58, %mul3A_57, %dma_wait3A] : memref<3x5023x2048xf32, #tpu.memory_space<hbm>> -> memref<1x8x2048xf32, #tpu.memory_space<hbm>>
        %dma_wait3A_71 = tpu.memref_squeeze %dma_wait3A_70 : memref<1x8x2048xf32, #tpu.memory_space<hbm>> -> memref<8x2048xf32, #tpu.memory_space<hbm>>
        %dma_wait3A_72 = arith.constant 0 : i32
        %dma_wait3A_73 = tpu.memref_slice %arg3[%run_scoped3A_58, %mul3A_57, %dma_wait3A_72] : memref<3x5023x2048xf32, #tpu.memory_space<hbm>> -> memref<1x8x2048xf32, #tpu.memory_space<hbm>>
        %dma_wait3A_74 = tpu.memref_squeeze %dma_wait3A_73 : memref<1x8x2048xf32, #tpu.memory_space<hbm>> -> memref<8x2048xf32, #tpu.memory_space<hbm>>
        tpu.wait_dma2 semaphore(%run_scoped3A_64 : memref<!tpu.dma_semaphore, #tpu.memory_space<semaphore_mem>>) src(%dma_wait3A_74 : memref<8x2048xf32, #tpu.memory_space<hbm>>) dst(%arg6 : memref<8x2048xf32, #tpu.memory_space<vmem>>)
        tpu.yield
      }) : () -> ()
      %scan3A = arith.constant 0 : i32
      %scan3A_59 = arith.constant 8 : i32
      %scan3A_60 = arith.addi %scan3A, %scan3A_59 : i32
      %scan3A_61 = arith.constant 1 : i32
      %scan3A_62:8 = scf.for %scan3A_64 = %scan3A to %scan3A_60 step %scan3A_61 iter_args(%scan3A_65 = %while3A_47, %scan3A_66 = %while3A_48, %scan3A_67 = %while3A_49, %scan3A_68 = %while3A_50, %scan3A_69 = %while3A_51, %scan3A_70 = %while3A_52, %scan3A_71 = %while3A_53, %scan3A_72 = %while3A_54) -> (vector<16xf32>, vector<16xf32>, vector<16xf32>, vector<16xf32>, vector<16xf32>, vector<16xf32>, vector<16xf32>, vector<16xf32>)  : i32 {
        %scan3A_73 = arith.constant 0 : i32
        %scan3A_74 = arith.constant 16 : i32
        %scan3A_75 = arith.addi %scan3A_73, %scan3A_74 : i32
        %scan3A_76 = arith.constant 1 : i32
        %scan3A_77:8 = scf.for %scan3A_79 = %scan3A_73 to %scan3A_75 step %scan3A_76 iter_args(%scan3A_80 = %scan3A_65, %scan3A_81 = %scan3A_66, %scan3A_82 = %scan3A_67, %scan3A_83 = %scan3A_68, %scan3A_84 = %scan3A_69, %scan3A_85 = %scan3A_70, %scan3A_86 = %scan3A_71, %scan3A_87 = %scan3A_72) -> (vector<16xf32>, vector<16xf32>, vector<16xf32>, vector<16xf32>, vector<16xf32>, vector<16xf32>, vector<16xf32>, vector<16xf32>)  : i32 {
          %mul3A_88 = arith.constant 128 : i32
          %mul3A_89 = arith.muli %scan3A_79, %mul3A_88 : i32
          %add3A_90 = arith.constant 0 : i32
          %add3A_91 = arith.addi %mul3A_89, %add3A_90 : i32
          %get3A = arith.index_cast %scan3A_64 : i32 to index
          %get3A_92 = arith.index_cast %add3A_91 : i32 to index
          %get3A_93 = tpu.vector_load %arg5[%get3A, %get3A_92] {strides = array<i32>} : memref<8x2048xf32, #tpu.memory_space<vmem>>, vector<1x16xf32>,
          %get3A_94 = vector.shape_cast %get3A_93 : vector<1x16xf32> to vector<16xf32>
          %add3A_95 = arith.constant 0 : i32
          %add3A_96 = arith.addi %mul3A_89, %add3A_95 : i32
          %get3A_97 = arith.index_cast %scan3A_64 : i32 to index
          %get3A_98 = arith.index_cast %add3A_96 : i32 to index
          %get3A_99 = tpu.vector_load %arg6[%get3A_97, %get3A_98] {strides = array<i32>} : memref<8x2048xf32, #tpu.memory_space<vmem>>, vector<1x16xf32>,
          %get3A_100 = vector.shape_cast %get3A_99 : vector<1x16xf32> to vector<16xf32>
          %sub3A_101 = arith.subf %get3A_94, %get3A_100 : vector<16xf32>
          %mul3A_102 = arith.mulf %sub3A_101, %sub3A_101 : vector<16xf32>
          %add3A_103 = arith.addf %scan3A_80, %mul3A_102 : vector<16xf32>
          %add3A_104 = arith.constant 16 : i32
          %add3A_105 = arith.addi %mul3A_89, %add3A_104 : i32
          %get3A_106 = arith.index_cast %scan3A_64 : i32 to index
          %get3A_107 = arith.index_cast %add3A_105 : i32 to index
          %get3A_108 = tpu.vector_load %arg5[%get3A_106, %get3A_107] {strides = array<i32>} : memref<8x2048xf32, #tpu.memory_space<vmem>>, vector<1x16xf32>,
          %get3A_109 = vector.shape_cast %get3A_108 : vector<1x16xf32> to vector<16xf32>
          %add3A_110 = arith.constant 16 : i32
          %add3A_111 = arith.addi %mul3A_89, %add3A_110 : i32
          %get3A_112 = arith.index_cast %scan3A_64 : i32 to index
          %get3A_113 = arith.index_cast %add3A_111 : i32 to index
          %get3A_114 = tpu.vector_load %arg6[%get3A_112, %get3A_113] {strides = array<i32>} : memref<8x2048xf32, #tpu.memory_space<vmem>>, vector<1x16xf32>,
          %get3A_115 = vector.shape_cast %get3A_114 : vector<1x16xf32> to vector<16xf32>
          %sub3A_116 = arith.subf %get3A_109, %get3A_115 : vector<16xf32>
          %mul3A_117 = arith.mulf %sub3A_116, %sub3A_116 : vector<16xf32>
          %add3A_118 = arith.addf %scan3A_81, %mul3A_117 : vector<16xf32>
          %add3A_119 = arith.constant 32 : i32
          %add3A_120 = arith.addi %mul3A_89, %add3A_119 : i32
          %get3A_121 = arith.index_cast %scan3A_64 : i32 to index
          %get3A_122 = arith.index_cast %add3A_120 : i32 to index
          %get3A_123 = tpu.vector_load %arg5[%get3A_121, %get3A_122] {strides = array<i32>} : memref<8x2048xf32, #tpu.memory_space<vmem>>, vector<1x16xf32>,
          %get3A_124 = vector.shape_cast %get3A_123 : vector<1x16xf32> to vector<16xf32>
          %add3A_125 = arith.constant 32 : i32
          %add3A_126 = arith.addi %mul3A_89, %add3A_125 : i32
          %get3A_127 = arith.index_cast %scan3A_64 : i32 to index
          %get3A_128 = arith.index_cast %add3A_126 : i32 to index
          %get3A_129 = tpu.vector_load %arg6[%get3A_127, %get3A_128] {strides = array<i32>} : memref<8x2048xf32, #tpu.memory_space<vmem>>, vector<1x16xf32>,
          %get3A_130 = vector.shape_cast %get3A_129 : vector<1x16xf32> to vector<16xf32>
          %sub3A_131 = arith.subf %get3A_124, %get3A_130 : vector<16xf32>
          %mul3A_132 = arith.mulf %sub3A_131, %sub3A_131 : vector<16xf32>
          %add3A_133 = arith.addf %scan3A_82, %mul3A_132 : vector<16xf32>
          %add3A_134 = arith.constant 48 : i32
          %add3A_135 = arith.addi %mul3A_89, %add3A_134 : i32
          %get3A_136 = arith.index_cast %scan3A_64 : i32 to index
          %get3A_137 = arith.index_cast %add3A_135 : i32 to index
          %get3A_138 = tpu.vector_load %arg5[%get3A_136, %get3A_137] {strides = array<i32>} : memref<8x2048xf32, #tpu.memory_space<vmem>>, vector<1x16xf32>,
          %get3A_139 = vector.shape_cast %get3A_138 : vector<1x16xf32> to vector<16xf32>
          %add3A_140 = arith.constant 48 : i32
          %add3A_141 = arith.addi %mul3A_89, %add3A_140 : i32
          %get3A_142 = arith.index_cast %scan3A_64 : i32 to index
          %get3A_143 = arith.index_cast %add3A_141 : i32 to index
          %get3A_144 = tpu.vector_load %arg6[%get3A_142, %get3A_143] {strides = array<i32>} : memref<8x2048xf32, #tpu.memory_space<vmem>>, vector<1x16xf32>,
          %get3A_145 = vector.shape_cast %get3A_144 : vector<1x16xf32> to vector<16xf32>
          %sub3A_146 = arith.subf %get3A_139, %get3A_145 : vector<16xf32>
          %mul3A_147 = arith.mulf %sub3A_146, %sub3A_146 : vector<16xf32>
          %add3A_148 = arith.addf %scan3A_83, %mul3A_147 : vector<16xf32>
          %add3A_149 = arith.constant 64 : i32
          %add3A_150 = arith.addi %mul3A_89, %add3A_149 : i32
          %get3A_151 = arith.index_cast %scan3A_64 : i32 to index
          %get3A_152 = arith.index_cast %add3A_150 : i32 to index
          %get3A_153 = tpu.vector_load %arg5[%get3A_151, %get3A_152] {strides = array<i32>} : memref<8x2048xf32, #tpu.memory_space<vmem>>, vector<1x16xf32>,
          %get3A_154 = vector.shape_cast %get3A_153 : vector<1x16xf32> to vector<16xf32>
          %add3A_155 = arith.constant 64 : i32
          %add3A_156 = arith.addi %mul3A_89, %add3A_155 : i32
          %get3A_157 = arith.index_cast %scan3A_64 : i32 to index
          %get3A_158 = arith.index_cast %add3A_156 : i32 to index
          %get3A_159 = tpu.vector_load %arg6[%get3A_157, %get3A_158] {strides = array<i32>} : memref<8x2048xf32, #tpu.memory_space<vmem>>, vector<1x16xf32>,
          %get3A_160 = vector.shape_cast %get3A_159 : vector<1x16xf32> to vector<16xf32>
          %sub3A_161 = arith.subf %get3A_154, %get3A_160 : vector<16xf32>
          %mul3A_162 = arith.mulf %sub3A_161, %sub3A_161 : vector<16xf32>
          %add3A_163 = arith.addf %scan3A_84, %mul3A_162 : vector<16xf32>
          %add3A_164 = arith.constant 80 : i32
          %add3A_165 = arith.addi %mul3A_89, %add3A_164 : i32
          %get3A_166 = arith.index_cast %scan3A_64 : i32 to index
          %get3A_167 = arith.index_cast %add3A_165 : i32 to index
          %get3A_168 = tpu.vector_load %arg5[%get3A_166, %get3A_167] {strides = array<i32>} : memref<8x2048xf32, #tpu.memory_space<vmem>>, vector<1x16xf32>,
          %get3A_169 = vector.shape_cast %get3A_168 : vector<1x16xf32> to vector<16xf32>
          %add3A_170 = arith.constant 80 : i32
          %add3A_171 = arith.addi %mul3A_89, %add3A_170 : i32
          %get3A_172 = arith.index_cast %scan3A_64 : i32 to index
          %get3A_173 = arith.index_cast %add3A_171 : i32 to index
          %get3A_174 = tpu.vector_load %arg6[%get3A_172, %get3A_173] {strides = array<i32>} : memref<8x2048xf32, #tpu.memory_space<vmem>>, vector<1x16xf32>,
          %get3A_175 = vector.shape_cast %get3A_174 : vector<1x16xf32> to vector<16xf32>
          %sub3A_176 = arith.subf %get3A_169, %get3A_175 : vector<16xf32>
          %mul3A_177 = arith.mulf %sub3A_176, %sub3A_176 : vector<16xf32>
          %add3A_178 = arith.addf %scan3A_85, %mul3A_177 : vector<16xf32>
          %add3A_179 = arith.constant 96 : i32
          %add3A_180 = arith.addi %mul3A_89, %add3A_179 : i32
          %get3A_181 = arith.index_cast %scan3A_64 : i32 to index
          %get3A_182 = arith.index_cast %add3A_180 : i32 to index
          %get3A_183 = tpu.vector_load %arg5[%get3A_181, %get3A_182] {strides = array<i32>} : memref<8x2048xf32, #tpu.memory_space<vmem>>, vector<1x16xf32>,
          %get3A_184 = vector.shape_cast %get3A_183 : vector<1x16xf32> to vector<16xf32>
          %add3A_185 = arith.constant 96 : i32
          %add3A_186 = arith.addi %mul3A_89, %add3A_185 : i32
          %get3A_187 = arith.index_cast %scan3A_64 : i32 to index
          %get3A_188 = arith.index_cast %add3A_186 : i32 to index
          %get3A_189 = tpu.vector_load %arg6[%get3A_187, %get3A_188] {strides = array<i32>} : memref<8x2048xf32, #tpu.memory_space<vmem>>, vector<1x16xf32>,
          %get3A_190 = vector.shape_cast %get3A_189 : vector<1x16xf32> to vector<16xf32>
          %sub3A_191 = arith.subf %get3A_184, %get3A_190 : vector<16xf32>
          %mul3A_192 = arith.mulf %sub3A_191, %sub3A_191 : vector<16xf32>
          %add3A_193 = arith.addf %scan3A_86, %mul3A_192 : vector<16xf32>
          %add3A_194 = arith.constant 112 : i32
          %add3A_195 = arith.addi %mul3A_89, %add3A_194 : i32
          %get3A_196 = arith.index_cast %scan3A_64 : i32 to index
          %get3A_197 = arith.index_cast %add3A_195 : i32 to index
          %get3A_198 = tpu.vector_load %arg5[%get3A_196, %get3A_197] {strides = array<i32>} : memref<8x2048xf32, #tpu.memory_space<vmem>>, vector<1x16xf32>,
          %get3A_199 = vector.shape_cast %get3A_198 : vector<1x16xf32> to vector<16xf32>
          %add3A_200 = arith.constant 112 : i32
          %add3A_201 = arith.addi %mul3A_89, %add3A_200 : i32
          %get3A_202 = arith.index_cast %scan3A_64 : i32 to index
          %get3A_203 = arith.index_cast %add3A_201 : i32 to index
          %get3A_204 = tpu.vector_load %arg6[%get3A_202, %get3A_203] {strides = array<i32>} : memref<8x2048xf32, #tpu.memory_space<vmem>>, vector<1x16xf32>,
          %get3A_205 = vector.shape_cast %get3A_204 : vector<1x16xf32> to vector<16xf32>
          %sub3A_206 = arith.subf %get3A_199, %get3A_205 : vector<16xf32>
          %mul3A_207 = arith.mulf %sub3A_206, %sub3A_206 : vector<16xf32>
          %add3A_208 = arith.addf %scan3A_87, %mul3A_207 : vector<16xf32>
          scf.yield %add3A_103, %add3A_118, %add3A_133, %add3A_148, %add3A_163, %add3A_178, %add3A_193, %add3A_208 : vector<16xf32>, vector<16xf32>, vector<16xf32>, vector<16xf32>, vector<16xf32>, vector<16xf32>, vector<16xf32>, vector<16xf32>
        }
        %scan3A_78 = arith.constant 16 : i32
        scf.yield %scan3A_77#0, %scan3A_77#1, %scan3A_77#2, %scan3A_77#3, %scan3A_77#4, %scan3A_77#5, %scan3A_77#6, %scan3A_77#7 : vector<16xf32>, vector<16xf32>, vector<16xf32>, vector<16xf32>, vector<16xf32>, vector<16xf32>, vector<16xf32>, vector<16xf32>
      }
      %scan3A_63 = arith.constant 8 : i32
      scf.yield %scan3A_62#0, %scan3A_62#1, %scan3A_62#2, %scan3A_62#3, %scan3A_62#4, %scan3A_62#5, %scan3A_62#6, %scan3A_62#7 : vector<16xf32>, vector<16xf32>, vector<16xf32>, vector<16xf32>, vector<16xf32>, vector<16xf32>, vector<16xf32>, vector<16xf32>
    }
    %add3A_34 = arith.addf %while3A_33#0, %while3A_33#1 : vector<16xf32>
    %add3A_35 = arith.addf %add3A_34, %while3A_33#2 : vector<16xf32>
    %add3A_36 = arith.addf %add3A_35, %while3A_33#3 : vector<16xf32>
    %add3A_37 = arith.addf %add3A_36, %while3A_33#4 : vector<16xf32>
    %add3A_38 = arith.addf %add3A_37, %while3A_33#5 : vector<16xf32>
    %add3A_39 = arith.addf %add3A_38, %while3A_33#6 : vector<16xf32>
    %add3A_40 = arith.addf %add3A_39, %while3A_33#7 : vector<16xf32>
    %swap3A = arith.constant 0 : index
    %swap3A_41 = tpu.vector_load %arg7[%swap3A] {strides = array<i32>} : memref<16xf32, #tpu.memory_space<vmem>>, vector<16xf32>,
    %swap3A_42 = vector.shape_cast %swap3A_41 : vector<16xf32> to vector<16xf32>
    %swap3A_43 = vector.shape_cast %add3A_40 : vector<16xf32> to vector<16xf32>
    tpu.vector_store %arg7[%swap3A], %swap3A_43 {strides = array<i32>} : memref<16xf32, #tpu.memory_space<vmem>>, vector<16xf32>,
    %mul3A_44 = arith.constant 16 : i32
    %mul3A_45 = arith.muli %add3A, %mul3A_44 : i32
    "tpu.region"() ({
      %run_scoped3A = tpu.sem_alloc : memref<!tpu.dma_semaphore, #tpu.memory_space<semaphore_mem>>
      %dma_start3A = tpu.memref_slice %arg4[%mul3A_45] : memref<512xf32, #tpu.memory_space<hbm>> -> memref<16xf32, #tpu.memory_space<hbm>>
      %dma_start3A_46 = tpu.memref_slice %arg4[%mul3A_45] : memref<512xf32, #tpu.memory_space<hbm>> -> memref<16xf32, #tpu.memory_space<hbm>>
      tpu.enqueue_dma source(%arg7 : memref<16xf32, #tpu.memory_space<vmem>>) target(%dma_start3A_46 : memref<16xf32, #tpu.memory_space<hbm>>) target_semaphore(%run_scoped3A : memref<!tpu.dma_semaphore, #tpu.memory_space<semaphore_mem>>)
      %dma_wait3A = tpu.memref_slice %arg4[%mul3A_45] : memref<512xf32, #tpu.memory_space<hbm>> -> memref<16xf32, #tpu.memory_space<hbm>>
      %dma_wait3A_47 = tpu.memref_slice %arg4[%mul3A_45] : memref<512xf32, #tpu.memory_space<hbm>> -> memref<16xf32, #tpu.memory_space<hbm>>
      tpu.wait_dma2 semaphore(%run_scoped3A : memref<!tpu.dma_semaphore, #tpu.memory_space<semaphore_mem>>) src(%arg7 : memref<16xf32, #tpu.memory_space<vmem>>) dst(%dma_wait3A_47 : memref<16xf32, #tpu.memory_space<hbm>>)
      tpu.yield
    }) : () -> ()
    return
  }
}

module attributes {stable_mosaic.version = 14 : i64} {
  func.func @_tc_kernel(%arg0: i32, %arg1: i32, %arg2: memref<1x256x2048xf32, #tpu.memory_space<vmem>>, %arg3: memref<1x256x2048xf32, #tpu.memory_space<vmem>>, %arg4: memref<1x8x2048xf32, #tpu.memory_space<vmem>>, %arg5: memref<1x8x2048xf32, #tpu.memory_space<vmem>>, %arg6: memref<1xf32, #tpu.memory_space<smem>>, %arg7: memref<8x2048xf32, #tpu.memory_space<vmem>>) attributes {dimension_semantics = [#tpu.dimension_semantics<arbitrary>, #tpu.dimension_semantics<arbitrary>], iteration_bounds = array<i64: 3, 20>, scalar_prefetch = 0 : i64, scratch_operands = 1 : i64, tpu.core_type = #tpu.core_type<tc>, window_params = [{transform_indices = @transform_0, window_bounds = array<i64: 1, 256, 2048>}, {transform_indices = @transform_1, window_bounds = array<i64: 1, 256, 2048>}, {transform_indices = @transform_2, window_bounds = array<i64: 1, 8, 2048>}, {transform_indices = @transform_3, window_bounds = array<i64: 1, 8, 2048>}, {transform_indices = @transform_4, window_bounds = array<i64: 1>}]} {
    %eq3A = arith.constant 0 : i32
    %eq3A_0 = arith.cmpi eq, %arg0, %eq3A : i32
    %eq3A_1 = arith.constant 0 : i32
    %eq3A_2 = arith.cmpi eq, %arg1, %eq3A_1 : i32
    %and3A = arith.andi %eq3A_0, %eq3A_2 : i1
    %convert_element_type3A = arith.extui %and3A : i1 to i32
    %cond3A = arith.constant 0 : i32
    %cond3A_3 = arith.cmpi ne, %convert_element_type3A, %cond3A : i32
    scf.if %cond3A_3 {
      %get3A_35 = arith.constant 0 : index
      %get3A_36 = arith.constant 0 : index
      %get3A_37 = arith.constant 0 : index
      %get3A_38 = vector.load %arg4[%get3A_35, %get3A_36, %get3A_37] : memref<1x8x2048xf32, #tpu.memory_space<vmem>>, vector<1x8x2048xf32>
      %get3A_39 = arith.constant 0 : index
      %get3A_40 = arith.constant 0 : index
      %get3A_41 = arith.constant 0 : index
      %get3A_42 = vector.load %arg5[%get3A_39, %get3A_40, %get3A_41] : memref<1x8x2048xf32, #tpu.memory_space<vmem>>, vector<1x8x2048xf32>
      %sub3A_43 = arith.subf %get3A_38, %get3A_42 : vector<1x8x2048xf32>
      %iota3A = tpu.iota {dimensions = array<i32: 1>} : vector<1x8x2048xi32>
      %lt3A_44 = arith.constant 7 : i32
      %lt3A_45 = vector.broadcast %lt3A_44 : i32 to vector<1x8x2048xi32>
      %lt3A_46 = arith.cmpi slt, %iota3A, %lt3A_45 : vector<1x8x2048xi32>
      %mul3A_47 = arith.mulf %sub3A_43, %sub3A_43 : vector<1x8x2048xf32>
      %jit3A = arith.constant 0.000000e+00 : f32
      %broadcast_in_dim3A = vector.broadcast %jit3A : f32 to vector<1x8x2048xf32>
      %select_n3A = arith.select %lt3A_46, %mul3A_47, %broadcast_in_dim3A : vector<1x8x2048xi1>, vector<1x8x2048xf32>
      %reduce_sum3A = arith.constant dense<0.000000e+00> : vector<8x2048xf32>
      %reduce_sum3A_48 = vector.multi_reduction <add>, %select_n3A, %reduce_sum3A [0] : vector<1x8x2048xf32> to vector<8x2048xf32>
      %swap3A = arith.constant 0 : index
      %swap3A_49 = arith.constant 0 : index
      %swap3A_50 = vector.load %arg7[%swap3A, %swap3A_49] : memref<8x2048xf32, #tpu.memory_space<vmem>>, vector<8x2048xf32>
      tpu.vector_store %arg7[%swap3A, %swap3A_49], %reduce_sum3A_48 {strides = array<i32>} : memref<8x2048xf32, #tpu.memory_space<vmem>>, vector<8x2048xf32>,
    } else {
    }
    %get3A = arith.constant 0 : index
    %get3A_4 = arith.constant 0 : index
    %get3A_5 = arith.constant 0 : index
    %get3A_6 = vector.load %arg2[%get3A, %get3A_4, %get3A_5] : memref<1x256x2048xf32, #tpu.memory_space<vmem>>, vector<1x256x2048xf32>
    %get3A_7 = arith.constant 0 : index
    %get3A_8 = arith.constant 0 : index
    %get3A_9 = arith.constant 0 : index
    %get3A_10 = vector.load %arg3[%get3A_7, %get3A_8, %get3A_9] : memref<1x256x2048xf32, #tpu.memory_space<vmem>>, vector<1x256x2048xf32>
    %sub3A = arith.subf %get3A_6, %get3A_10 : vector<1x256x2048xf32>
    %mul3A = arith.mulf %sub3A, %sub3A : vector<1x256x2048xf32>
    %gt3A = arith.constant 0 : i32
    %gt3A_11 = arith.cmpi sgt, %arg0, %gt3A : i32
    %lt3A = arith.constant 15 : i32
    %lt3A_12 = arith.cmpi slt, %arg1, %lt3A : i32
    %or3A = arith.ori %gt3A_11, %lt3A_12 : i1
    %lt3A_13 = arith.constant 19 : i32
    %lt3A_14 = arith.cmpi slt, %arg1, %lt3A_13 : i32
    %and3A_15 = arith.andi %or3A, %lt3A_14 : i1
    %convert_element_type3A_16 = arith.extui %and3A_15 : i1 to i32
    %cond3A_17 = arith.constant 0 : i32
    %cond3A_18 = arith.cmpi ne, %convert_element_type3A_16, %cond3A_17 : i32
    scf.if %cond3A_18 {
      %get3A_35 = arith.constant 0 : index
      %get3A_36 = arith.constant 0 : index
      %get3A_37 = vector.load %arg7[%get3A_35, %get3A_36] : memref<8x2048xf32, #tpu.memory_space<vmem>>, vector<8x2048xf32>
      %reshape3A = vector.shape_cast %mul3A : vector<1x256x2048xf32> to vector<32x8x2048xf32>
      %reduce_sum3A = arith.constant dense<0.000000e+00> : vector<8x2048xf32>
      %reduce_sum3A_38 = vector.multi_reduction <add>, %reshape3A, %reduce_sum3A [0] : vector<32x8x2048xf32> to vector<8x2048xf32>
      %add3A = arith.addf %get3A_37, %reduce_sum3A_38 : vector<8x2048xf32>
      %swap3A = arith.constant 0 : index
      %swap3A_39 = arith.constant 0 : index
      %swap3A_40 = vector.load %arg7[%swap3A, %swap3A_39] : memref<8x2048xf32, #tpu.memory_space<vmem>>, vector<8x2048xf32>
      tpu.vector_store %arg7[%swap3A, %swap3A_39], %add3A {strides = array<i32>} : memref<8x2048xf32, #tpu.memory_space<vmem>>, vector<8x2048xf32>,
    } else {
    }
    %gt3A_19 = arith.constant 0 : i32
    %gt3A_20 = arith.cmpi sgt, %arg0, %gt3A_19 : i32
    %eq3A_21 = arith.constant 19 : i32
    %eq3A_22 = arith.cmpi eq, %arg1, %eq3A_21 : i32
    %and3A_23 = arith.andi %gt3A_20, %eq3A_22 : i1
    %convert_element_type3A_24 = arith.extui %and3A_23 : i1 to i32
    %cond3A_25 = arith.constant 0 : i32
    %cond3A_26 = arith.cmpi ne, %convert_element_type3A_24, %cond3A_25 : i32
    scf.if %cond3A_26 {
      %iota3A = tpu.iota {dimensions = array<i32: 1>} : vector<1x256x2048xi32>
      %lt3A_35 = arith.constant 159 : i32
      %lt3A_36 = vector.broadcast %lt3A_35 : i32 to vector<1x256x2048xi32>
      %lt3A_37 = arith.cmpi slt, %iota3A, %lt3A_36 : vector<1x256x2048xi32>
      %jit3A = arith.constant 0.000000e+00 : f32
      %broadcast_in_dim3A = vector.broadcast %jit3A : f32 to vector<1x256x2048xf32>
      %select_n3A = arith.select %lt3A_37, %mul3A, %broadcast_in_dim3A : vector<1x256x2048xi1>, vector<1x256x2048xf32>
      %get3A_38 = arith.constant 0 : index
      %get3A_39 = arith.constant 0 : index
      %get3A_40 = vector.load %arg7[%get3A_38, %get3A_39] : memref<8x2048xf32, #tpu.memory_space<vmem>>, vector<8x2048xf32>
      %reshape3A = vector.shape_cast %select_n3A : vector<1x256x2048xf32> to vector<32x8x2048xf32>
      %reduce_sum3A = arith.constant dense<0.000000e+00> : vector<8x2048xf32>
      %reduce_sum3A_41 = vector.multi_reduction <add>, %reshape3A, %reduce_sum3A [0] : vector<32x8x2048xf32> to vector<8x2048xf32>
      %add3A = arith.addf %get3A_40, %reduce_sum3A_41 : vector<8x2048xf32>
      %swap3A = arith.constant 0 : index
      %swap3A_42 = arith.constant 0 : index
      %swap3A_43 = vector.load %arg7[%swap3A, %swap3A_42] : memref<8x2048xf32, #tpu.memory_space<vmem>>, vector<8x2048xf32>
      tpu.vector_store %arg7[%swap3A, %swap3A_42], %add3A {strides = array<i32>} : memref<8x2048xf32, #tpu.memory_space<vmem>>, vector<8x2048xf32>,
    } else {
    }
    %eq3A_27 = arith.constant 2 : i32
    %eq3A_28 = arith.cmpi eq, %arg0, %eq3A_27 : i32
    %eq3A_29 = arith.constant 19 : i32
    %eq3A_30 = arith.cmpi eq, %arg1, %eq3A_29 : i32
    %and3A_31 = arith.andi %eq3A_28, %eq3A_30 : i1
    %convert_element_type3A_32 = arith.extui %and3A_31 : i1 to i32
    %cond3A_33 = arith.constant 0 : i32
    %cond3A_34 = arith.cmpi ne, %convert_element_type3A_32, %cond3A_33 : i32
    scf.if %cond3A_34 {
      %get3A_35 = arith.constant 0 : index
      %get3A_36 = arith.constant 0 : index
      %get3A_37 = vector.load %arg7[%get3A_35, %get3A_36] : memref<8x2048xf32, #tpu.memory_space<vmem>>, vector<8x2048xf32>
      %reduce_sum3A = vector.shape_cast %get3A_37 : vector<8x2048xf32> to vector<1x8x2048xf32>
      %reduce_sum3A_38 = arith.constant dense<0.000000e+00> : vector<1xf32>
      %reduce_sum3A_39 = vector.multi_reduction <add>, %reduce_sum3A, %reduce_sum3A_38 [1, 2] : vector<1x8x2048xf32> to vector<1xf32>
      %reduce_sum3A_40 = vector.shape_cast %reduce_sum3A_39 : vector<1xf32> to vector<1x1x1xf32>
      %reduce_sum3A_41 = vector.extract %reduce_sum3A_40[0, 0, 0] : f32 from vector<1x1x1xf32>
      %swap3A = arith.constant 0 : index
      %swap3A_42 = memref.load %arg6[%swap3A] : memref<1xf32, #tpu.memory_space<smem>>
      memref.store %reduce_sum3A_41, %arg6[%swap3A] : memref<1xf32, #tpu.memory_space<smem>>
    } else {
    }
    return
  }
  func.func @transform_0(%arg0: i32, %arg1: i32) -> (i32, i32, i32) {
    %eq3A = arith.constant 0 : i32
    %eq3A_0 = arith.cmpi eq, %arg0, %eq3A : i32
    %min3A = arith.constant 14 : i32
    %min3A_1 = arith.minsi %arg1, %min3A : i32
    %select_n3A = arith.select %eq3A_0, %min3A_1, %arg1 : i32
    %c0_i32 = arith.constant 0 : i32
    %c0_i32_2 = arith.constant 0 : i32
    return %arg0, %select_n3A, %c0_i32 : i32, i32, i32
  }
  func.func @transform_1(%arg0: i32, %arg1: i32) -> (i32, i32, i32) {
    %eq3A = arith.constant 0 : i32
    %eq3A_0 = arith.cmpi eq, %arg0, %eq3A : i32
    %min3A = arith.constant 14 : i32
    %min3A_1 = arith.minsi %arg1, %min3A : i32
    %select_n3A = arith.select %eq3A_0, %min3A_1, %arg1 : i32
    %c0_i32 = arith.constant 0 : i32
    %c0_i32_2 = arith.constant 0 : i32
    return %arg0, %select_n3A, %c0_i32 : i32, i32, i32
  }
  func.func @transform_2(%arg0: i32, %arg1: i32) -> (i32, i32, i32) {
    %c0_i32 = arith.constant 0 : i32
    %c627_i32 = arith.constant 627 : i32
    %c0_i32_0 = arith.constant 0 : i32
    %c0_i32_1 = arith.constant 0 : i32
    return %c0_i32, %c627_i32, %c0_i32_0 : i32, i32, i32
  }
  func.func @transform_3(%arg0: i32, %arg1: i32) -> (i32, i32, i32) {
    %c0_i32 = arith.constant 0 : i32
    %c627_i32 = arith.constant 627 : i32
    %c0_i32_0 = arith.constant 0 : i32
    %c0_i32_1 = arith.constant 0 : i32
    return %c0_i32, %c627_i32, %c0_i32_0 : i32, i32, i32
  }
  func.func @transform_4(%arg0: i32, %arg1: i32) -> i32 {
    %c0_i32 = arith.constant 0 : i32
    %c0_i32_0 = arith.constant 0 : i32
    return %c0_i32 : i32
  }
}

</mosaic_0001>

<sc_bundles>
// kernel: kernel.4.cloned.1.call-start
scs
__scs_entry_jumppad:
0x0: {  	(pc) =	sbr.rel $0x88, $3  }
0x1: {  	(tag) =	ssettag $0x0;
	lr =	simm.s32 $0x1  }
0x2: {  	[smem:$0x3F9F] =	sst lr;
	_ =	strace $0xD0000000  }
0x3: {  	_ = 	snop  }
0x4: {  	_ = 	snop  }
0x5: {  	_ = 	snop  }
0x6: {  	_ = 	snop  }
0x7: {  	_ = 	snop  }
__scs_overlays_trampoline_lowered:
0x8: {  	[smem:$0x3FAE] =	sst s0  }
0x9: {  	[smem:$0x3FAF] =	sst s1  }
0xa: {  	[smem:$0x3FB0] =	sst s2  }
0xb: {  	[smem:$0x3FB1] =	sst s3  }
0xc: {  	[smem:$0x3FB2] =	sst s4  }
0xd: {  	[smem:$0x3FB3] =	sst s5  }
0xe: {  	[smem:$0x3FB4] =	sst s6  }
0xf: {  	[smem:$0x3FB5] =	sst s7  }
0x10: {  	[smem:$0x3FB6] =	sst s8  }
0x11: {  	[smem:$0x3FB7] =	sst s9;
	s0 =	simm.s32 @!p0 $0x0  }
0x12: {  	s1 =	sld [smem:$0x3F9D];
	s0 =	simm.s32 @p0 $0x1  }
0x13: {  	[smem:$0x3FB8] =	sst s0;
	s0 =	simm.s32 @!p1 $0x0  }
0x14: {  	s2 =	sld [smem:$0x3F9C];
	s0 =	simm.s32 @p1 $0x1  }
0x15: {  	[smem:$0x3FB9] =	sst s0;
	s0 =	simm.s32 @!p2 $0x0  }
0x16: {  	s3 =	sld [smem:$0x3FDB];
	s0 =	simm.s32 @p2 $0x1  }
0x17: {  	s4 =	simm.s32 $0x1BF5;
	[smem:$0x3FBB] =	sst s0  }
0x18: {  	s0 =	sld [smem:$0x3F9E];
	_ =	swait.ge [sflag:s4], $0x0  }
0x19: {  	s7 =	sld [smem:$0x3F9F]  }
0x1a: {  	s8 =	sadd.s32 $0xFFFFE003, lr  }
0x1b: {  	s9 =	sadd.s32 $0xFFFFFEF7, lr;
	s5 =	simm.s32 $0xFFFFFFFF;
	p2 =	slt.u32 s8, $0xFFFFF086  }
0x1c: {  	p1 =	slt.u32 s9, $0xF7A;
	s5 =	simm.s32 @!p2 $0x0  }
0x1d: {  	s5 =	simm.s32 @p1 $0x1;
	p0 =	seq.s32 s7, s2  }
0x1e: {  	s7 =	smul.u32 @!p0 $0xF7A, s2;
	p2 =	seq.s32 @!p0 s5, $0x0  }
0x1f: {  	s9 =	smul.u32 $0xF7A, s1;
	s8 =	simm.s32 @!p0 $0x1BF5;
	p2 =	por !p2, p0  }
0x20: {  	[sflag:s8] =	ssyncset.s32 @!p0 $0xFFFFF086;
	s6 =	sadd.s32 @!p0 s3, s7;
	s7 =	simm.s32 @!p0 $0x108  }
0x21: {  	s3 =	sadd.s32 s3, s9;
	s6 =	sadd.s32 @!p0 $0x88, s6;
	s7 =	simm.s32 @p2 $0x1082  }
0x22: {  	[simem:s7], [sflag:s8] =	dma.local @!p0 [hbm:s6], $0xF7A  }
0x23: {  	s9 =	sor.u32 $0xD0000000, s2;
	s6 =	simm.s32 $0x108;
	_ =	swait.ge @!p0 [sflag:s8], $0x0  }
0x24: {  	s3 =	sadd.s32 $0x88, s3;
	s6 =	simm.s32 @!p1 $0x1082;
	[sflag:s4] =	ssyncset.s32 $0xFFFFF086  }
0x25: {  	[simem:s6], [sflag:s4] =	dma.local [hbm:s3], $0xF7A  }
0x26: {  	[smem:$0x3F9F] =	sst s1;
	(tag) =	ssettag s2;
	_ =	strace s9  }
0x27: {  	s1 =	sld [smem:$0x3FAF]  }
0x28: {  	s2 =	sld [smem:$0x3FB0]  }
0x29: {  	s4 =	sld [smem:$0x3FB2]  }
0x2a: {  	p0 =	seq.s32 s5, $0x0;
	s5 =	sld [smem:$0x3FB3]  }
0x2b: {  	s6 =	sld [smem:$0x3FB4]  }
0x2c: {  	s7 =	sld [smem:$0x3FB5]  }
0x2d: {  	s3 =	simm.s32 $0x108;
	s8 =	sld [smem:$0x3FB6]  }
0x2e: {  	s3 =	simm.s32 @!p0 $0x1082;
	s9 =	sld [smem:$0x3FB7]  }
0x2f: {  	lr =	sadd.s32 s0, s3;
	s0 =	sld [smem:$0x3FAE]  }
0x30: {  	s3 =	sld [smem:$0x3FB1]  }
0x31: {  	[smem:$0x3FBA] =	sst s10  }
0x32: {  	s10 =	sld [smem:$0x3FB8];
	_ =	sdelay $0x3  }
0x33: {  	p0 =	seq.s32 s10, $0x1;
	s10 =	sld [smem:$0x3FBA];
	_ =	sdelay $0x3  }
0x34: {  	[smem:$0x3FBA] =	sst s10  }
0x35: {  	s10 =	sld [smem:$0x3FB9];
	_ =	sdelay $0x3  }
0x36: {  	p1 =	seq.s32 s10, $0x1;
	s10 =	sld [smem:$0x3FBA];
	_ =	sdelay $0x3  }
0x37: {  	[smem:$0x3FBA] =	sst s10  }
0x38: {  	s10 =	sld [smem:$0x3FBB]  }
0x39: {  	_ = 	snop;
	(pc) =	sbr.ind lr, $3  }
0x3a: {  	_ = 	snop  }
0x3b: {  	_ = 	snop  }
0x3c: {  	p2 =	seq.s32 s10, $0x1;
	s10 =	sld [smem:$0x3FBA]  }
0x3d: {  	_ =	shalt  }
0x3e: {  	_ =	shalt  }
0x3f: {  	_ =	shalt  }
0x40: {  	_ =	shalt  }
0x41: {  	_ =	shalt  }
0x42: {  	_ =	shalt  }
0x43: {  	_ =	shalt  }
0x44: {  	_ =	shalt  }
0x45: {  	_ =	shalt  }
0x46: {  	_ =	shalt  }
0x47: {  	_ =	shalt  }
0x48: {  	_ =	shalt  }
0x49: {  	_ =	shalt  }
0x4a: {  	_ =	shalt  }
0x4b: {  	_ =	shalt  }
0x4c: {  	_ =	shalt  }
0x4d: {  	_ =	shalt  }
0x4e: {  	_ =	shalt  }
0x4f: {  	_ =	shalt  }
0x50: {  	_ =	shalt  }
0x51: {  	_ =	shalt  }
0x52: {  	_ =	shalt  }
0x53: {  	_ =	shalt  }
0x54: {  	_ =	shalt  }
0x55: {  	_ =	shalt  }
0x56: {  	_ =	shalt  }
0x57: {  	_ =	shalt  }
0x58: {  	_ =	shalt  }
0x59: {  	_ =	shalt  }
0x5a: {  	_ =	shalt  }
0x5b: {  	_ =	shalt  }
0x5c: {  	_ =	shalt  }
0x5d: {  	_ =	shalt  }
0x5e: {  	_ =	shalt  }
0x5f: {  	_ =	shalt  }
0x60: {  	_ =	shalt  }
0x61: {  	_ =	shalt  }
0x62: {  	_ =	shalt  }
0x63: {  	_ =	shalt  }
0x64: {  	_ =	shalt  }
0x65: {  	_ =	shalt  }
0x66: {  	_ =	shalt  }
0x67: {  	_ =	shalt  }
0x68: {  	_ =	shalt  }
0x69: {  	_ =	shalt  }
0x6a: {  	_ =	shalt  }
0x6b: {  	_ =	shalt  }
0x6c: {  	_ =	shalt  }
0x6d: {  	_ =	shalt  }
0x6e: {  	_ =	shalt  }
0x6f: {  	_ =	shalt  }
0x70: {  	_ =	shalt  }
0x71: {  	_ =	shalt  }
0x72: {  	_ =	shalt  }
0x73: {  	_ =	shalt  }
0x74: {  	_ =	shalt  }
0x75: {  	_ =	shalt  }
0x76: {  	_ =	shalt  }
0x77: {  	_ =	shalt  }
0x78: {  	_ =	shalt  }
0x79: {  	_ =	shalt  }
0x7a: {  	_ =	shalt  }
0x7b: {  	_ =	shalt  }
0x7c: {  	_ =	shalt  }
0x7d: {  	_ =	shalt  }
0x7e: {  	_ =	shalt  }
0x7f: {  	_ =	shalt  }
0x80: {  	_ =	shalt  }
0x81: {  	_ =	shalt  }
0x82: {  	_ =	shalt  }
0x83: {  	_ =	shalt  }
0x84: {  	_ =	shalt  }
0x85: {  	_ =	shalt  }
0x86: {  	_ =	shalt  }
0x87: {  	_ =	shalt  }
.Lfunc_end0:
.L_simem_size_0:
called_computation_lowered:
.L_overlay_start_0:
0x88: {  	s2 =	sld [smem:$0x3FD9]  }
0x89: {  	s3 =	sld [smem:$0x3FFE];
	_ =	sdelay $0x1  }
0x8a: {  	s1 =	srdreg.scid  }
0x8b: {  	s0 =	sand.u32 $0x1, s1  }
0x8c: {  	s17 =	sshll.u32 s0, $0xA;
	s2 =	sadd.s32 s3, s2  }
0x8d: {  	s2 =	sadd.s32 s2, s17  }
0x8e: {  	[smem:$0x3FC6] =	sst s2  }
0x8f: {  	_ = 	snop  }
0x90: {  	s2 =	sld [smem:$0x3FC9]  }
0x91: {  	s18 =	sld [smem:$0x3FC8];
	(tm) =	ssettm $0x1  }
0x92: {  	s4 =	sld [smem:$0x3FFB];
	_ =	sdelay $0x3  }
0x93: {  	_ =	strace s4  }
0x94: {  	s4 =	sld [smem:$0x3FFC];
	_ =	sdelay $0x3  }
0x95: {  	_ =	strace s4  }
0x96: {  	s4 =	sld [smem:$0x3FFD];
	_ =	sdelay $0x3  }
0x97: {  	_ =	strace s4  }
0x98: {  	_ =	strace $0x8FFFFFFF  }
0x99: {  	s19 =	sld [smem:$0x3FDB];
	_ =	sdelay $0x1  }
0x9a: {  	s5 =	simm.s32 $_scs_section_size  }
0x9b: {  	s6 =	simm.s32 $_size__tile_overlayer_lowered;
	s7 =	simm.s32 $_tile_overlayer_lowered  }
0x9c: {  	s22 =	simm.s32 $0x1BFF;
	s21 =	sshll.u32 s7, $0x1;
	s4 =	sadd.s32 s5, s19  }
0x9d: {  	s8 =	simm.s32 $0x0;
	s20 =	sshll.u32 s6, $0x1;
	s6 =	sadd.s32 s21, s4  }
0x9e: {  	[timem:s8], [sflag:s22] =	dma.local [hbm:s6], s20  }
0x9f: {  	_ =	swait.ge [sflag:s22], s20  }
0xa0: {  	s5 =	ssub.s32 $0x0, s20;
	[sflag:s22] =	ssyncset.done $0x0  }
0xa1: {  	[sflag:s22] =	ssyncadd.s32 s5;
	_ =	sdelay $0x1  }
0xa2: {  	s23 =	simm.s32 $0x1B8B  }
0xa3: {  	_ =	swait.ge [sflag:s23], $0x1  }
0xa4: {  	[sflag:s23] =	ssyncset.done $0x0  }
0xa5: {  	s25 =	simm.s32 $0x1B8E;
	s24 =	sld [smem:$0x3FFE];
	[sflag:s23] =	ssyncadd.s32 $0xFFFFFFFF  }
0xa6: {  	s26 =	simm.s32 $execute0_lowered;
	[smem:$0x3FD2] =	sst s25  }
0xa7: {  	s6 =	sshll.u32 s26, $0x1;
	_ =	strace $0x80000046;
	[dreg:$0x1] =	wrdreg $0xFFFFFFFF  }
0xa8: {  	s28 =	simm.s32 $_size_execute0_lowered;
	s4 =	sadd.s32 s4, s6;
	[dreg:$0x0] =	wrdreg $0x0  }
0xa9: {  	s6 =	sshll.u32 s28, $0x1;
	[dreg:$0x2] =	wrdreg s4  }
0xaa: {  	[dreg:$0x3] =	wrdreg s6  }
0xab: {  	[dreg:$0x4] =	wrdreg $0xC0  }
0xac: {  	_ =	task [dreg:s8], $0x5FFFF  }
0xad: {  	[dreg:$0x1] =	wrdreg $0xFFFFFFFF  }
0xae: {  	[dreg:$0x0] =	wrdreg $0x60  }
0xaf: {  	[dreg:$0x2] =	wrdreg s2  }
0xb0: {  	[dreg:$0x3] =	wrdreg s18  }
0xb1: {  	[dreg:$0x4] =	wrdreg s24  }
0xb2: {  	[dreg:$0x5] =	wrdreg $0x9  }
0xb3: {  	_ =	task.clear_ibuf [dreg:s8], $0x6FFFF;
	_ =	strace $0x90000046  }
0xb4: {  	s29 =	simm.s32 $0x9;
	_ =	strace $0x80000048  }
0xb5: {  	_ =	swait.ge [sflag:s29], $0x1  }
0xb6: {  	[sflag:s29] =	ssyncadd.s32 $0xFFFFFFFF  }
0xb7: {  	_ =	strace $0x90000048  }
0xb8: {  	_ =	sfence  }
0xb9: {  	s30 =	sld [smem:$0x0];
	_ =	sdelay $0x2  }
0xba: {  	s31 =	sshll.u32 s1, $0xD;
	s1 =	sshrl.u32 s1, $0x2  }
0xbb: {  	s3 =	sand.u32 $0x4000, s31;
	s1 =	sadd.s32 s1, s30  }
0xbc: {  	s0 =	sor.u32 s3, s0;
	s1 =	sshll.u32 s1, $0x11  }
0xbd: {  	s0 =	sor.u32 s1, s0  }
0xbe: {  	s0 =	sadd.s32 $0x8F2B, s0  }
0xbf: {  	[sflag:s0] =	ssyncadd.remote.s32 $0x1  }
0xc0: {  	_ =	sfence.sel $0xFFFF  }
0xc1: {  	[dreg:$0x0] =	wrdreg $0xFFFFFFFF;
	(pc) =	sbr.abs _section_cstart, $3  }
0xc2: {  	[dreg:$0x1] =	wrdreg $0xFFFFFFFF  }
0xc3: {  	_ =	task.clear_ibuf [dreg:s8], $0x2FFFF;
	_ =	strace $0x9FFFFFFF  }
0xc4: {  	(tm) =	ssettm $0x7FFFFFFF  }
0xc5: {  	_ =	shalt  }
tec
execute0_lowered:
.L_overlay_start_1:
0x0: {  	(tag) =	ssettag $0x1  }
0x1: {  	s1 =	rddreg [dreg:$0x0]  }
0x2: {  	s2 =	srdreg.scid;
	s3 =	rddreg [dreg:$0x1]  }
0x3: {  	s0 =	stileid.u32;
	s8 =	rddreg [dreg:$0x2]  }
0x4: {  	s4 =	simm.s32 $0x0;
	s11 =	simm.s32 $0x8000;
	s12 =	simm.s32 $0x0  }
0x5: {  	s5 =	sand.u32 $0x1, s2;
	s31 =	sshll.u32 s0, $0x1;
	s2 =	rddreg [dreg:$0x3]  }
0x6: {  	s13 =	simm.s32 $0x0;
	[smem:$0x7FF] =	sst s4;
	s7 =	sor.u32 s5, s31  }
0x7: {  	s5 =	ssub.s32 $0x2, s5;
	_ =	strace $0x80000047;
	s6 =	smul.u32 $0x5, s7  }
.Ltmp0:
0x8: {  	s9 =	sshrl.u32 s5, $0x1;
	s7 =	sshll.u32 s7, $0x1;
	(pc) =	sbr.rel .LBB2_1-.Ltmp0, $4  }
0x9: {  	s9 =	ssub.s32 s5, s9;
	s7 =	sadd.s32 s8, s7;
	s10 =	smax.u32 s6, $0x8E  }
0xa: {  	s6 =	sadd.s32 $0x1E0, s6;
	s8 =	smax.u32 s9, $0x1;
	s5 =	ssub.s32 $0x93, s10  }
0xb: {  	s9 =	simm.s32 $0x1;
	s10 =	sadd.s32 $0xFFFFFF72, s10;
	p0 =	sgt.s32 s5, $0x1  }
0xc: {  	s5 =	simm.s32 @!p0 $0x1;
	p0 =	sgt.u32 s10, $0x4;
	s10 =	simm.s32 $0x4000  }
.LBB2_9:
0xd: {  	s12 =	sadd.s32 $0x1, s12  }
0xe: {  	p1 =	sne.s32 s12, s8  }
.Ltmp1:
0xf: {  	[tilespmem:$0x8000] =	vst v0;
	(pc) =	sbr.rel @!p1 .LBB2_10-.Ltmp1, $4  }
0x10: {  	[hbm4b:s7+s4] =	stream.linear.scatter [tilespmem:s11], [sflag:$0x1], $0x10, $0x38;
	[tilespmem:$0x8080] =	vst v63  }
0x11: {  	_ =	swait.ge [sflag:s9], $0x10  }
0x12: {  	[sflag:s9] =	ssyncset.done $0x0  }
0x13: {  	[sflag:s9] =	ssyncadd.s32 $0xFFFFFFF0  }
.LBB2_1:
.Ltmp2:
0x14: {  	(pc) =	sbr.rel @p0 .LBB2_9-.Ltmp2, $2  }
0x15: {  	_ =	sdelay $0x2  }
0x16: {  	v0 =	vimm.f32 $0.0e+00  }
0x17: {  	v8 =	vimm.f32 $0.0e+00;
	v0 =	vimm.f32 $0.0e+00  }
0x18: {  	v1 =	vimm.f32 $0.0e+00;
	v2 =	vimm.f32 $0.0e+00;
	v3 =	vimm.f32 $0.0e+00  }
0x19: {  	v4 =	vimm.f32 $0.0e+00;
	v7 =	vimm.f32 $0.0e+00;
	v9 =	vimm.f32 $0.0e+00;
	s14 =	simm.s32 $0x0  }
.LBB2_3:
0x1a: {  	s15 =	sadd.s32 s6, s14  }
0x1b: {  	s15 =	sshll.u32 s15, $0xB  }
0x1c: {  	s15 =	sand.u32 $0x1FFFF800, s15  }
0x1d: {  	s16 =	sadd.s32 s1, s15  }
0x1e: {  	[tilespmem:s13], [sflag:$0x1] =	stream.linear.gather [hbm4b:s16+s13], $0x4000, $0x38;
	[tilespmem:$0x8080] =	vst v63  }
0x1f: {  	_ =	swait.ge [sflag:s9], $0x4000  }
0x20: {  	[sflag:s9] =	ssyncset.done $0x0  }
0x21: {  	s15 =	sadd.s32 s3, s15;
	[sflag:s9] =	ssyncadd.s32 $0xFFFFC000  }
0x22: {  	[tilespmem:s10], [sflag:$0x1] =	stream.linear.gather [hbm4b:s15+s13], $0x4000, $0x38;
	[tilespmem:$0x8080] =	vst v63  }
0x23: {  	_ =	swait.ge [sflag:s9], $0x4000  }
0x24: {  	s17 =	simm.s32 $0x0;
	[sflag:s9] =	ssyncset.done $0x0  }
0x25: {  	s16 =	simm.s32 $0x40;
	s15 =	simm.s32 $0x4040;
	[sflag:s9] =	ssyncadd.s32 $0xFFFFC000  }
.LBB2_4:
0x26: {  	v6 =	vmov s16  }
0x27: {  	v5 =	vmov s15;
	_ =	sdelay $0x2  }
0x28: {  	s19 =	simm.s32 $0x0  }
0x29: {  	v11 =	vld.idx.msk [tilespmem:v6+s19+$0x30 ss:$0x1], $0xffff  }
0x2a: {  	v12 =	vld.idx.msk [tilespmem:v5+s19+$0x30 ss:$0x1], $0xffff  }
0x2b: {  	v13 =	vld.idx.msk [tilespmem:v6+s19+$0xFFFFFFC0 ss:$0x1], $0xffff  }
0x2c: {  	v14 =	vld.idx.msk [tilespmem:v5+s19+$0xFFFFFFC0 ss:$0x1], $0xffff  }
0x2d: {  	v15 =	vld.idx.msk [tilespmem:v6+s19+$0xFFFFFFD0 ss:$0x1], $0xffff  }
0x2e: {  	v16 =	vld.idx.msk [tilespmem:v5+s19+$0xFFFFFFD0 ss:$0x1], $0xffff  }
0x2f: {  	v17 =	vld.idx.msk [tilespmem:v6+s19+$0xFFFFFFE0 ss:$0x1], $0xffff  }
0x30: {  	v18 =	vld.idx.msk [tilespmem:v5+s19+$0xFFFFFFE0 ss:$0x1], $0xffff  }
0x31: {  	v19 =	vld.idx.msk [tilespmem:v6+s19+$0xFFFFFFF0 ss:$0x1], $0xffff  }
0x32: {  	v20 =	vld.idx.msk [tilespmem:v5+s19+$0xFFFFFFF0 ss:$0x1], $0xffff  }
0x33: {  	v10 =	vld.idx.msk [tilespmem:v6+s19+$0x0 ss:$0x1], $0xffff  }
0x34: {  	v21 =	vsub.f32 v11, v12;
	v12 =	vld.idx.msk [tilespmem:v5+s19+$0x0 ss:$0x1], $0xffff  }
0x35: {  	v13 =	vsub.f32 v13, v14;
	v15 =	vsub.f32 v15, v16;
	v11 =	vld.idx.msk [tilespmem:v6+s19+$0x10 ss:$0x1], $0xffff  }
0x36: {  	v14 =	vld.idx.msk [tilespmem:v5+s19+$0x10 ss:$0x1], $0xffff;
	v17 =	vsub.f32 v17, v18;
	v16 =	vmul.f32 v21, v21  }
0x37: {  	v63 =	vmul.f32 v13, v13;
	v15 =	vmul.f32 v15, v15;
	v13 =	vld.idx.msk [tilespmem:v6+s19+$0x20 ss:$0x1], $0xffff  }
0x38: {  	s18 =	simm.s32 $0x400;
	v18 =	vmul.f32 v17, v17;
	v17 =	vsub.f32 v19, v20;
	v8 =	vadd.f32 v16, v8;
	v16 =	vld.idx.msk [tilespmem:v5+s19+$0x20 ss:$0x1], $0xffff  }
0x39: {  	v9 =	vadd.f32 v63, v9;
	v7 =	vadd.f32 v15, v7;
	v15 =	vld.idx.msk [tilespmem:v6+s18+$0x30 ss:$0x1], $0xffff;
	s19 =	simm.s32 $0x2000  }
.LBB2_5:
0x3a: {  	p1 =	sne.s32 s19, $0xF000;
	v19 =	vld.idx.msk [tilespmem:v5+s18+$0x30 ss:$0x1], $0xffff;
	v4 =	vadd.f32 v18, v4;
	v17 =	vmul.f32 v17, v17;
	v10 =	vsub.f32 v10, v12  }
0x3b: {  	v12 =	vld.idx.msk [tilespmem:v6+s18+$0xFFFFFFC0 ss:$0x1], $0xffff  }
0x3c: {  	v11 =	vsub.f32 v11, v14;
	v18 =	vld.idx.msk [tilespmem:v5+s18+$0xFFFFFFC0 ss:$0x1], $0xffff;
	v3 =	vadd.f32 v17, v3;
	v10 =	vmul.f32 v10, v10  }
0x3d: {  	v14 =	vld.idx.msk [tilespmem:v6+s18+$0xFFFFFFD0 ss:$0x1], $0xffff  }
0x3e: {  	v17 =	vld.idx.msk [tilespmem:v5+s18+$0xFFFFFFD0 ss:$0x1], $0xffff;
	v2 =	vadd.f32 v10, v2;
	v10 =	vmul.f32 v11, v11;
	v11 =	vsub.f32 v13, v16  }
0x3f: {  	v13 =	vld.idx.msk [tilespmem:v6+s18+$0xFFFFFFE0 ss:$0x1], $0xffff  }
0x40: {  	v15 =	vsub.f32 v15, v19;
	v16 =	vld.idx.msk [tilespmem:v5+s18+$0xFFFFFFE0 ss:$0x1], $0xffff;
	v1 =	vadd.f32 v10, v1;
	v10 =	vmul.f32 v11, v11  }
0x41: {  	v19 =	vld.idx.msk [tilespmem:v6+s18+$0xFFFFFFF0 ss:$0x1], $0xffff  }
0x42: {  	v11 =	vsub.f32 v12, v18;
	v15 =	vmul.f32 v15, v15;
	v20 =	vld.idx.msk [tilespmem:v5+s18+$0xFFFFFFF0 ss:$0x1], $0xffff;
	v0 =	vadd.f32 v10, v0  }
0x43: {  	v10 =	vld.idx.msk [tilespmem:v6+s18+$0x0 ss:$0x1], $0xffff  }
0x44: {  	v18 =	vmul.f32 v11, v11;
	v14 =	vsub.f32 v14, v17;
	v8 =	vadd.f32 v15, v8;
	v12 =	vld.idx.msk [tilespmem:v5+s18+$0x0 ss:$0x1], $0xffff  }
.Ltmp3:
0x45: {  	v11 =	vld.idx.msk [tilespmem:v6+s18+$0x10 ss:$0x1], $0xffff;
	(pc) =	sbr.rel @p1 .LBB2_5-.Ltmp3, $4  }
0x46: {  	v9 =	vadd.f32 v18, v9;
	v15 =	vmul.f32 v14, v14;
	v16 =	vsub.f32 v13, v16;
	v14 =	vld.idx.msk [tilespmem:v5+s18+$0x10 ss:$0x1], $0xffff  }
0x47: {  	v13 =	vld.idx.msk [tilespmem:v6+s18+$0x20 ss:$0x1], $0xffff  }
0x48: {  	v7 =	vadd.f32 v15, v7;
	v18 =	vmul.f32 v16, v16;
	v17 =	vsub.f32 v19, v20;
	v16 =	vld.idx.msk [tilespmem:v5+s18+$0x20 ss:$0x1], $0xffff;
	s18 =	sshra.s32 s19, $0x2  }
0x49: {  	s19 =	sadd.s32 $0x1000, s19;
	v15 =	vld.idx.msk [tilespmem:v6+s18+$0x30 ss:$0x1], $0xffff  }
0x4a: {  	_ =	sdelay $0x3  }
0x4b: {  	v19 =	vld.idx.msk [tilespmem:v5+s18+$0x30 ss:$0x1], $0xffff  }
0x4c: {  	v20 =	vld.idx.msk [tilespmem:v6+s18+$0xFFFFFFC0 ss:$0x1], $0xffff  }
0x4d: {  	v21 =	vld.idx.msk [tilespmem:v5+s18+$0xFFFFFFC0 ss:$0x1], $0xffff  }
0x4e: {  	v22 =	vld.idx.msk [tilespmem:v6+s18+$0xFFFFFFD0 ss:$0x1], $0xffff  }
0x4f: {  	v23 =	vld.idx.msk [tilespmem:v5+s18+$0xFFFFFFD0 ss:$0x1], $0xffff  }
0x50: {  	v24 =	vld.idx.msk [tilespmem:v6+s18+$0xFFFFFFE0 ss:$0x1], $0xffff  }
0x51: {  	v25 =	vld.idx.msk [tilespmem:v5+s18+$0xFFFFFFE0 ss:$0x1], $0xffff  }
0x52: {  	v26 =	vld.idx.msk [tilespmem:v6+s18+$0xFFFFFFF0 ss:$0x1], $0xffff  }
0x53: {  	v27 =	vld.idx.msk [tilespmem:v5+s18+$0xFFFFFFF0 ss:$0x1], $0xffff  }
0x54: {  	v28 =	vld.idx.msk [tilespmem:v6+s18+$0x0 ss:$0x1], $0xffff  }
0x55: {  	v57 =	vld.idx.msk [tilespmem:v5+s18+$0x0 ss:$0x1], $0xffff  }
0x56: {  	v10 =	vsub.f32 v10, v12;
	v58 =	vld.idx.msk [tilespmem:v6+s18+$0x10 ss:$0x1], $0xffff;
	v59 =	vmul.f32 v17, v17  }
0x57: {  	v60 =	vld.idx.msk [tilespmem:v5+s18+$0x10 ss:$0x1], $0xffff;
	v11 =	vsub.f32 v11, v14  }
0x58: {  	v4 =	vadd.f32 v18, v4;
	v6 =	vld.idx.msk [tilespmem:v6+s18+$0x20 ss:$0x1], $0xffff;
	v10 =	vmul.f32 v10, v10;
	v3 =	vadd.f32 v59, v3  }
0x59: {  	v5 =	vld.idx.msk [tilespmem:v5+s18+$0x20 ss:$0x1], $0xffff;
	v13 =	vsub.f32 v13, v16;
	v11 =	vmul.f32 v11, v11;
	v15 =	vsub.f32 v15, v19  }
0x5a: {  	v2 =	vadd.f32 v10, v2;
	v61 =	vsub.f32 v20, v21  }
0x5b: {  	v1 =	vadd.f32 v11, v1;
	v62 =	vsub.f32 v22, v23;
	v10 =	vmul.f32 v15, v15  }
0x5c: {  	v63 =	vsub.f32 v26, v27;
	v12 =	vsub.f32 v28, v57;
	v11 =	vmul.f32 v61, v61  }
0x5d: {  	s17 =	sadd.s32 $0x1, s17;
	v13 =	vmul.f32 v13, v13;
	v8 =	vadd.f32 v10, v8;
	v10 =	vsub.f32 v24, v25  }
0x5e: {  	p1 =	sne.s32 s17, $0x8;
	v5 =	vsub.f32 v6, v5;
	v9 =	vadd.f32 v11, v9;
	v11 =	vmul.f32 v62, v62  }
.Ltmp4:
0x5f: {  	v14 =	vsub.f32 v58, v60;
	v0 =	vadd.f32 v13, v0;
	v10 =	vmul.f32 v10, v10;
	(pc) =	sbr.rel @p1 .LBB2_4-.Ltmp4, $4  }
0x60: {  	v6 =	vmul.f32 v63, v63;
	v5 =	vmul.f32 v5, v5;
	v7 =	vadd.f32 v11, v7  }
0x61: {  	v11 =	vmul.f32 v12, v12;
	v4 =	vadd.f32 v10, v4;
	v10 =	vmul.f32 v14, v14  }
0x62: {  	v3 =	vadd.f32 v6, v3;
	v0 =	vadd.f32 v5, v0  }
0x63: {  	s15 =	sadd.s32 $0x80, s15;
	s16 =	sadd.s32 $0x80, s16;
	v2 =	vadd.f32 v11, v2;
	v1 =	vadd.f32 v10, v1  }
0x64: {  	s14 =	sadd.s32 $0x1, s14  }
0x65: {  	p1 =	sne.s32 s14, s5  }
.Ltmp5:
0x66: {  	_ = 	snop;
	(pc) =	sbr.rel @p1 .LBB2_3-.Ltmp5, $1  }
0x67: {  	_ =	sdelay $0x3  }
0x68: {  	v5 =	vadd.f32 v7, v9;
	_ =	sdelay $0x1  }
0x69: {  	v4 =	vadd.f32 v4, v5;
	_ =	sdelay $0x1  }
0x6a: {  	v3 =	vadd.f32 v3, v4;
	_ =	sdelay $0x1  }
0x6b: {  	v2 =	vadd.f32 v2, v3;
	_ =	sdelay $0x1  }
.Ltmp6:
0x6c: {  	v1 =	vadd.f32 v1, v2;
	(pc) =	sbr.rel .LBB2_9-.Ltmp6, $3  }
0x6d: {  	_ = 	snop  }
0x6e: {  	v0 =	vadd.f32 v0, v1;
	_ =	sdelay $0x1  }
0x6f: {  	v0 =	vadd.f32 v8, v0  }
.LBB2_10:
0x70: {  	_ =	sfence.sel $0x180000  }
0x71: {  	[bflag:$0x0] =	sbarrier.arrive $0xFFFF  }
0x72: {  	p0 =	sne.s32 s0, $0x0;
	_ =	strace $0x90000047  }
0x73: {  	s0 =	sadd.s32 @!p0 $0x100000, s2;
	[bflag:$0x2] =	sbarrier.arrive $0xFFFF  }
0x74: {  	[sflag:s0] =	ssyncadd.tile.s32 @!p0 $0x1;
	_ =	shalt  }
.Lfunc_end2:
_tile_overlayer_lowered:
.L_overlay_start_2:
0x75: {  	(tag) =	ssettag $0x2  }
0x76: {  	s0 =	rddreg [dreg:$0x0];
	s2 =	stileid.u32  }
0x77: {  	s1 =	rddreg [dreg:$0x1];
	p0 =	sne.s32 s2, $0x0  }
0x78: {  	s3 =	rddreg [dreg:$0x2];
	[bflag:$0x3] =	sbarrier.arrive $0xFFFF;
	s2 =	simm.s32 @!p0 $0x1C01  }
0x79: {  	[timem:s3], [sflag:s2] =	dma.local @!p0 [hbm:s0], s1  }
0x7a: {  	s0 =	simm.s32 @!p0 $0x1  }
0x7b: {  	_ =	swait.ge @!p0 [sflag:s0], s1  }
0x7c: {  	s1 =	ssub.s32 @!p0 $0x0, s1;
	[sflag:s0] =	ssyncset.done @!p0 $0x0  }
0x7d: {  	[sflag:s0] =	ssyncadd.s32 @!p0 s1  }
0x7e: {  	[bflag:$0x3] =	sbarrier.arrive $0xFFFF  }
0x7f: {  	_ =	shalt  }

</sc_bundles>
